<compile_context>
chip_gen: v7x
topology: tpu7x:2x2x1
jax: 0.10.2.dev20260603
libtpu: 0.0.44.dev20260713+nightly
codegen_flags: <defaults>
</compile_context>

<pallas_src>
import functools

import jax
import jax.numpy as jnp
from jax import lax
from jax.experimental import pallas as pl
from jax.experimental.pallas import tpu as pltpu
from jax.experimental.pallas import tpu_sc as plsc

N_NODES = 10000
N_EDGES = 320000
D_FEAT = 128
D_OUT = 128

NC = 2
NS = 16
NW = NC * NS
CHUNK = 64
CPT = 160
GRP = 8
NGRP = CPT // GRP
E_PAD = NW * CPT * CHUNK
N_PAD = 10112
ROWS_PER_TILE = N_PAD // NS


def _sc_feat_body(h_hbm, idx_hbm, zeros_hbm, sums_out, si_di, rb0, rb1,
                  acc_sh, sem0, sem1):
    c = lax.axis_index("c")
    s = lax.axis_index("s")
    wid = c * NS + s

    pltpu.sync_copy(zeros_hbm, rb0)
    r0 = s * ROWS_PER_TILE
    nblk = (ROWS_PER_TILE + CHUNK - 1) // CHUNK
    for k in range(nblk):
        n = min(CHUNK, ROWS_PER_TILE - CHUNK * k)
        pltpu.sync_copy(rb0.at[pl.ds(0, n)],
                        acc_sh.at[pl.ds(r0 + CHUNK * k, n)])

    plsc.subcore_barrier()

    bufs = (rb0, rb1)
    sems = (sem0, sem1)

    def _group(g, _):
        pltpu.sync_copy(idx_hbm.at[wid, g], si_di)
        cps = [pltpu.async_copy(h_hbm.at[si_di.at[0]], rb0, sem0), None]
        for j in range(GRP):
            cur = j % 2
            cps[cur].wait()
            if j + 1 < GRP:
                cps[1 - cur] = pltpu.async_copy(
                    h_hbm.at[si_di.at[j + 1]], bufs[1 - cur], sems[1 - cur])
            pltpu.sync_copy(bufs[cur], acc_sh.at[si_di.at[GRP + j]],
                            add=True)
        return 0

    lax.fori_loop(0, NGRP, _group, 0)

    plsc.subcore_barrier()

    pltpu.sync_copy(acc_sh.at[pl.ds(r0, ROWS_PER_TILE)],
                    sums_out.at[c, pl.ds(r0, ROWS_PER_TILE)])


_sc_feat = functools.partial(
    pl.kernel,
    out_type=jax.ShapeDtypeStruct((NC, N_PAD, D_FEAT), jnp.float32),
    mesh=plsc.VectorSubcoreMesh(core_axis_name="c", subcore_axis_name="s"),
    scratch_types=(
        pltpu.VMEM((2 * GRP, CHUNK), jnp.int32),
        pltpu.VMEM((CHUNK, D_FEAT), jnp.float32),
        pltpu.VMEM((CHUNK, D_FEAT), jnp.float32),
        pltpu.VMEM_SHARED((N_PAD, D_FEAT), jnp.float32),
        pltpu.SemaphoreType.DMA,
        pltpu.SemaphoreType.DMA,
    ),
)(_sc_feat_body)


def _sc_deg_body(idx_hbm, zeros_hbm, ones_hbm, deg_out, si_di, ob, deg_sh):
    c = lax.axis_index("c")
    s = lax.axis_index("s")
    wid = c * NS + s

    pltpu.sync_copy(zeros_hbm, ob)
    r0 = s * ROWS_PER_TILE
    nblk = (ROWS_PER_TILE + CHUNK - 1) // CHUNK
    for k in range(nblk):
        n = min(CHUNK, ROWS_PER_TILE - CHUNK * k)
        pltpu.sync_copy(ob.at[pl.ds(0, n)],
                        deg_sh.at[pl.ds(r0 + CHUNK * k, n)])
    pltpu.sync_copy(ones_hbm, ob)

    plsc.subcore_barrier()

    def _group(g, _):
        pltpu.sync_copy(idx_hbm.at[wid, g], si_di)
        for j in range(GRP):
            pltpu.sync_copy(ob, deg_sh.at[si_di.at[GRP + j]], add=True)
        return 0

    lax.fori_loop(0, NGRP, _group, 0)

    plsc.subcore_barrier()

    pltpu.sync_copy(deg_sh.at[pl.ds(r0, ROWS_PER_TILE)],
                    deg_out.at[c, pl.ds(r0, ROWS_PER_TILE)])


_sc_deg = functools.partial(
    pl.kernel,
    out_type=jax.ShapeDtypeStruct((NC, N_PAD, D_FEAT), jnp.float32),
    mesh=plsc.VectorSubcoreMesh(core_axis_name="c", subcore_axis_name="s"),
    scratch_types=(
        pltpu.VMEM((2 * GRP, CHUNK), jnp.int32),
        pltpu.VMEM((CHUNK, D_FEAT), jnp.float32),
        pltpu.VMEM_SHARED((N_PAD, D_FEAT), jnp.float32),
    ),
)(_sc_deg_body)


def _tc_body(h_ref, s_ref, d_ref, w_ref, b_ref, o_ref):
    hn = s_ref[0] + s_ref[1]
    dg = d_ref[0][:, :1] + d_ref[1][:, :1]
    hn = hn / jnp.maximum(dg, 1.0)
    w = w_ref[...]
    acc = lax.dot_general(h_ref[...], w[:, :D_FEAT], (((1,), (1,)), ((), ())),
                          preferred_element_type=jnp.float32)
    acc = acc + lax.dot_general(hn, w[:, D_FEAT:], (((1,), (1,)), ((), ())),
                                preferred_element_type=jnp.float32)
    o_ref[...] = acc + b_ref[...]


def _tc_linear(h, sums, deg, W, b2):
    blk = 1000
    grid = N_NODES // blk
    return pl.pallas_call(
        _tc_body,
        grid=(grid,),
        in_specs=[
            pl.BlockSpec((blk, D_FEAT), lambda i: (i, 0)),
            pl.BlockSpec((NC, blk, D_FEAT), lambda i: (0, i, 0)),
            pl.BlockSpec((NC, blk, D_FEAT), lambda i: (0, i, 0)),
            pl.BlockSpec((D_OUT, 2 * D_FEAT), lambda i: (0, 0)),
            pl.BlockSpec((1, D_OUT), lambda i: (0, 0)),
        ],
        out_specs=pl.BlockSpec((blk, D_OUT), lambda i: (i, 0)),
        out_shape=jax.ShapeDtypeStruct((N_NODES, D_OUT), jnp.float32),
    )(h, sums, deg, W, b2)


def kernel(h, edge_index, W, b):
    src = edge_index[0].astype(jnp.int32)
    dst = edge_index[1].astype(jnp.int32)
    pad = E_PAD - N_EDGES
    src = jnp.pad(src, (0, pad))
    dst = jnp.pad(dst, (0, pad), constant_values=N_PAD - 1)
    src4 = src.reshape(NW, NGRP, GRP, CHUNK)
    dst4 = dst.reshape(NW, NGRP, GRP, CHUNK)
    idx4 = jnp.concatenate([src4, dst4], axis=2)
    zeros = jnp.zeros((CHUNK, D_FEAT), jnp.float32)
    ones = jnp.ones((CHUNK, D_FEAT), jnp.float32)
    sums = _sc_feat(h, idx4, zeros)
    deg = _sc_deg(idx4, zeros, ones)
    return _tc_linear(h, sums, deg, W, b.reshape(1, D_OUT))

# --- scband reference (transcript-rebuilt; emitter-appended) ---
"""Pipeline reference for scband-gcnlayer-13804024889768 (READ-ONLY COPY).

The authoritative reference and input builder live on the scoring server;
editing this copy changes nothing except your own understanding.
"""

import jax, jax.numpy as jnp
import numpy as np

N_NODES = 10000
N_EDGES = 320000
D_FEAT = 128
D_OUT = 128


def setup_inputs(seed: int = 0) -> dict:
    key = jax.random.key(seed)
    k_h, k_e, k_w, k_b = jax.random.split(key, 4)
    h = jax.random.normal(k_h, (N_NODES, D_FEAT), dtype=jnp.float32)
    edge_index = jax.random.randint(k_e, (2, N_EDGES), 0, N_NODES, dtype=jnp.int64)
    # nn.Linear(in_feats*2, out_feats): W has shape [out, in*2], bias [out]
    fan_in = 2 * D_FEAT
    bound = 1.0 / np.sqrt(fan_in)
    W = jax.random.uniform(k_w, (D_OUT, fan_in), minval=-bound, maxval=bound, dtype=jnp.float32)
    b = jax.random.uniform(k_b, (D_OUT,), minval=-bound, maxval=bound, dtype=jnp.float32)
    return {"h": h, "edge_index": edge_index, "W": W, "b": b}


def reference(h, edge_index, W, b):
    # DGL block with num_dst_nodes == num_src_nodes == N_NODES
    src = edge_index[0]
    dst = edge_index[1]
    num_dst = h.shape[0]
    h_dst = h[:num_dst]
    # message: copy_u('h','m') -> gather source features per edge
    m = jnp.take(h, src, axis=0)
    # reduce: mean over incoming edges per dst node (0 for isolated nodes, as DGL)
    s = jax.ops.segment_sum(m, dst, num_segments=num_dst)
    deg = jax.ops.segment_sum(jnp.ones((m.shape[0],), dtype=h.dtype), dst, num_segments=num_dst)
    h_neigh = s / jnp.maximum(deg, 1.0)[:, None]
    cat = jnp.concatenate([h_dst, h_neigh], axis=1)
    return cat @ W.T + b

if __name__ == "__main__":
    import jax
    _d = setup_inputs()
    print(jax.jit(kernel)(*tuple(_d.values())))

</pallas_src>

<mosaic_0001>
#map = affine_map<(d0, d1) -> (0, 0, 0, 0)>
#map1 = affine_map<(d0, d1) -> (0, 0)>
#map2 = affine_map<(d0, d1) -> (0, 0, 0)>
module attributes {stable_mosaic.version = 14 : i64} {
  func.func @_sc_deg_body(%arg0: i32, %arg1: i32, %arg2: memref<32x20x16x64xi32, #tpu.memory_space<hbm>>, %arg3: memref<64x128xf32, #tpu.memory_space<hbm>>, %arg4: memref<64x128xf32, #tpu.memory_space<hbm>>, %arg5: memref<2x10112x128xf32, #tpu.memory_space<hbm>>, %arg6: memref<16x64xi32, #tpu.memory_space<vmem>>, %arg7: memref<64x128xf32, #tpu.memory_space<vmem>>, %arg8: memref<10112x128xf32, #tpu.memory_space<vmem_shared>>) attributes {dimension_semantics = [#tpu.dimension_semantics<core_parallel>, #tpu.dimension_semantics<subcore_parallel>], iteration_bounds = array<i64: 2, 16>, scalar_prefetch = 0 : i64, scratch_operands = 3 : i64, tpu.core_type = #tpu.core_type<sc_vector_subcore>, window_params = [{transform_indices = #map}, {transform_indices = #map1}, {transform_indices = #map1}, {transform_indices = #map2}]} {
    %mul3A = arith.constant 16 : i32
    %mul3A_0 = arith.muli %arg0, %mul3A : i32
    %add3A = arith.addi %mul3A_0, %arg1 : i32
    "tpu.region"() ({
      %run_scoped3A = tpu.sem_alloc : memref<!tpu.dma_semaphore, #tpu.memory_space<semaphore_mem>>
      tpu.enqueue_dma source(%arg3 : memref<64x128xf32, #tpu.memory_space<hbm>>) target(%arg7 : memref<64x128xf32, #tpu.memory_space<vmem>>) target_semaphore(%run_scoped3A : memref<!tpu.dma_semaphore, #tpu.memory_space<semaphore_mem>>)
      tpu.wait_dma2 semaphore(%run_scoped3A : memref<!tpu.dma_semaphore, #tpu.memory_space<semaphore_mem>>) src(%arg3 : memref<64x128xf32, #tpu.memory_space<hbm>>) dst(%arg7 : memref<64x128xf32, #tpu.memory_space<vmem>>)
      tpu.yield
    }) : () -> ()
    %mul3A_1 = arith.constant 632 : i32
    %mul3A_2 = arith.muli %arg1, %mul3A_1 : i32
    %add3A_3 = arith.constant 0 : i32
    %add3A_4 = arith.addi %mul3A_2, %add3A_3 : i32
    "tpu.region"() ({
      %run_scoped3A = tpu.sem_alloc : memref<!tpu.dma_semaphore, #tpu.memory_space<semaphore_mem>>
      %dma_start3A = arith.constant 0 : i32
      %dma_start3A_30 = arith.constant 0 : i32
      %dma_start3A_31 = tpu.memref_slice %arg7[%dma_start3A, %dma_start3A_30] : memref<64x128xf32, #tpu.memory_space<vmem>> -> memref<64x128xf32, #tpu.memory_space<vmem>>
      %dma_start3A_32 = arith.constant 0 : i32
      %dma_start3A_33 = tpu.memref_slice %arg8[%add3A_4, %dma_start3A_32] : memref<10112x128xf32, #tpu.memory_space<vmem_shared>> -> memref<64x128xf32, #tpu.memory_space<vmem_shared>>
      %dma_start3A_34 = arith.constant 0 : i32
      %dma_start3A_35 = tpu.memref_slice %arg8[%add3A_4, %dma_start3A_34] : memref<10112x128xf32, #tpu.memory_space<vmem_shared>> -> memref<64x128xf32, #tpu.memory_space<vmem_shared>>
      %dma_start3A_36 = arith.constant 0 : i32
      %dma_start3A_37 = arith.constant 0 : i32
      %dma_start3A_38 = tpu.memref_slice %arg7[%dma_start3A_36, %dma_start3A_37] : memref<64x128xf32, #tpu.memory_space<vmem>> -> memref<64x128xf32, #tpu.memory_space<vmem>>
      tpu.enqueue_dma source(%dma_start3A_38 : memref<64x128xf32, #tpu.memory_space<vmem>>) target(%dma_start3A_35 : memref<64x128xf32, #tpu.memory_space<vmem_shared>>) target_semaphore(%run_scoped3A : memref<!tpu.dma_semaphore, #tpu.memory_space<semaphore_mem>>)
      %dma_wait3A = arith.constant 0 : i32
      %dma_wait3A_39 = arith.constant 0 : i32
      %dma_wait3A_40 = tpu.memref_slice %arg7[%dma_wait3A, %dma_wait3A_39] : memref<64x128xf32, #tpu.memory_space<vmem>> -> memref<64x128xf32, #tpu.memory_space<vmem>>
      %dma_wait3A_41 = arith.constant 0 : i32
      %dma_wait3A_42 = tpu.memref_slice %arg8[%add3A_4, %dma_wait3A_41] : memref<10112x128xf32, #tpu.memory_space<vmem_shared>> -> memref<64x128xf32, #tpu.memory_space<vmem_shared>>
      %dma_wait3A_43 = arith.constant 0 : i32
      %dma_wait3A_44 = tpu.memref_slice %arg8[%add3A_4, %dma_wait3A_43] : memref<10112x128xf32, #tpu.memory_space<vmem_shared>> -> memref<64x128xf32, #tpu.memory_space<vmem_shared>>
      %dma_wait3A_45 = arith.constant 0 : i32
      %dma_wait3A_46 = arith.constant 0 : i32
      %dma_wait3A_47 = tpu.memref_slice %arg7[%dma_wait3A_45, %dma_wait3A_46] : memref<64x128xf32, #tpu.memory_space<vmem>> -> memref<64x128xf32, #tpu.memory_space<vmem>>
      tpu.wait_dma2 semaphore(%run_scoped3A : memref<!tpu.dma_semaphore, #tpu.memory_space<semaphore_mem>>) src(%dma_wait3A_47 : memref<64x128xf32, #tpu.memory_space<vmem>>) dst(%dma_wait3A_44 : memref<64x128xf32, #tpu.memory_space<vmem_shared>>)
      tpu.yield
    }) : () -> ()
    %add3A_5 = arith.constant 64 : i32
    %add3A_6 = arith.addi %mul3A_2, %add3A_5 : i32
    "tpu.region"() ({
      %run_scoped3A = tpu.sem_alloc : memref<!tpu.dma_semaphore, #tpu.memory_space<semaphore_mem>>
      %dma_start3A = arith.constant 0 : i32
      %dma_start3A_30 = arith.constant 0 : i32
      %dma_start3A_31 = tpu.memref_slice %arg7[%dma_start3A, %dma_start3A_30] : memref<64x128xf32, #tpu.memory_space<vmem>> -> memref<64x128xf32, #tpu.memory_space<vmem>>
      %dma_start3A_32 = arith.constant 0 : i32
      %dma_start3A_33 = tpu.memref_slice %arg8[%add3A_6, %dma_start3A_32] : memref<10112x128xf32, #tpu.memory_space<vmem_shared>> -> memref<64x128xf32, #tpu.memory_space<vmem_shared>>
      %dma_start3A_34 = arith.constant 0 : i32
      %dma_start3A_35 = tpu.memref_slice %arg8[%add3A_6, %dma_start3A_34] : memref<10112x128xf32, #tpu.memory_space<vmem_shared>> -> memref<64x128xf32, #tpu.memory_space<vmem_shared>>
      %dma_start3A_36 = arith.constant 0 : i32
      %dma_start3A_37 = arith.constant 0 : i32
      %dma_start3A_38 = tpu.memref_slice %arg7[%dma_start3A_36, %dma_start3A_37] : memref<64x128xf32, #tpu.memory_space<vmem>> -> memref<64x128xf32, #tpu.memory_space<vmem>>
      tpu.enqueue_dma source(%dma_start3A_38 : memref<64x128xf32, #tpu.memory_space<vmem>>) target(%dma_start3A_35 : memref<64x128xf32, #tpu.memory_space<vmem_shared>>) target_semaphore(%run_scoped3A : memref<!tpu.dma_semaphore, #tpu.memory_space<semaphore_mem>>)
      %dma_wait3A = arith.constant 0 : i32
      %dma_wait3A_39 = arith.constant 0 : i32
      %dma_wait3A_40 = tpu.memref_slice %arg7[%dma_wait3A, %dma_wait3A_39] : memref<64x128xf32, #tpu.memory_space<vmem>> -> memref<64x128xf32, #tpu.memory_space<vmem>>
      %dma_wait3A_41 = arith.constant 0 : i32
      %dma_wait3A_42 = tpu.memref_slice %arg8[%add3A_6, %dma_wait3A_41] : memref<10112x128xf32, #tpu.memory_space<vmem_shared>> -> memref<64x128xf32, #tpu.memory_space<vmem_shared>>
      %dma_wait3A_43 = arith.constant 0 : i32
      %dma_wait3A_44 = tpu.memref_slice %arg8[%add3A_6, %dma_wait3A_43] : memref<10112x128xf32, #tpu.memory_space<vmem_shared>> -> memref<64x128xf32, #tpu.memory_space<vmem_shared>>
      %dma_wait3A_45 = arith.constant 0 : i32
      %dma_wait3A_46 = arith.constant 0 : i32
      %dma_wait3A_47 = tpu.memref_slice %arg7[%dma_wait3A_45, %dma_wait3A_46] : memref<64x128xf32, #tpu.memory_space<vmem>> -> memref<64x128xf32, #tpu.memory_space<vmem>>
      tpu.wait_dma2 semaphore(%run_scoped3A : memref<!tpu.dma_semaphore, #tpu.memory_space<semaphore_mem>>) src(%dma_wait3A_47 : memref<64x128xf32, #tpu.memory_space<vmem>>) dst(%dma_wait3A_44 : memref<64x128xf32, #tpu.memory_space<vmem_shared>>)
      tpu.yield
    }) : () -> ()
    %add3A_7 = arith.constant 128 : i32
    %add3A_8 = arith.addi %mul3A_2, %add3A_7 : i32
    "tpu.region"() ({
      %run_scoped3A = tpu.sem_alloc : memref<!tpu.dma_semaphore, #tpu.memory_space<semaphore_mem>>
      %dma_start3A = arith.constant 0 : i32
      %dma_start3A_30 = arith.constant 0 : i32
      %dma_start3A_31 = tpu.memref_slice %arg7[%dma_start3A, %dma_start3A_30] : memref<64x128xf32, #tpu.memory_space<vmem>> -> memref<64x128xf32, #tpu.memory_space<vmem>>
      %dma_start3A_32 = arith.constant 0 : i32
      %dma_start3A_33 = tpu.memref_slice %arg8[%add3A_8, %dma_start3A_32] : memref<10112x128xf32, #tpu.memory_space<vmem_shared>> -> memref<64x128xf32, #tpu.memory_space<vmem_shared>>
      %dma_start3A_34 = arith.constant 0 : i32
      %dma_start3A_35 = tpu.memref_slice %arg8[%add3A_8, %dma_start3A_34] : memref<10112x128xf32, #tpu.memory_space<vmem_shared>> -> memref<64x128xf32, #tpu.memory_space<vmem_shared>>
      %dma_start3A_36 = arith.constant 0 : i32
      %dma_start3A_37 = arith.constant 0 : i32
      %dma_start3A_38 = tpu.memref_slice %arg7[%dma_start3A_36, %dma_start3A_37] : memref<64x128xf32, #tpu.memory_space<vmem>> -> memref<64x128xf32, #tpu.memory_space<vmem>>
      tpu.enqueue_dma source(%dma_start3A_38 : memref<64x128xf32, #tpu.memory_space<vmem>>) target(%dma_start3A_35 : memref<64x128xf32, #tpu.memory_space<vmem_shared>>) target_semaphore(%run_scoped3A : memref<!tpu.dma_semaphore, #tpu.memory_space<semaphore_mem>>)
      %dma_wait3A = arith.constant 0 : i32
      %dma_wait3A_39 = arith.constant 0 : i32
      %dma_wait3A_40 = tpu.memref_slice %arg7[%dma_wait3A, %dma_wait3A_39] : memref<64x128xf32, #tpu.memory_space<vmem>> -> memref<64x128xf32, #tpu.memory_space<vmem>>
      %dma_wait3A_41 = arith.constant 0 : i32
      %dma_wait3A_42 = tpu.memref_slice %arg8[%add3A_8, %dma_wait3A_41] : memref<10112x128xf32, #tpu.memory_space<vmem_shared>> -> memref<64x128xf32, #tpu.memory_space<vmem_shared>>
      %dma_wait3A_43 = arith.constant 0 : i32
      %dma_wait3A_44 = tpu.memref_slice %arg8[%add3A_8, %dma_wait3A_43] : memref<10112x128xf32, #tpu.memory_space<vmem_shared>> -> memref<64x128xf32, #tpu.memory_space<vmem_shared>>
      %dma_wait3A_45 = arith.constant 0 : i32
      %dma_wait3A_46 = arith.constant 0 : i32
      %dma_wait3A_47 = tpu.memref_slice %arg7[%dma_wait3A_45, %dma_wait3A_46] : memref<64x128xf32, #tpu.memory_space<vmem>> -> memref<64x128xf32, #tpu.memory_space<vmem>>
      tpu.wait_dma2 semaphore(%run_scoped3A : memref<!tpu.dma_semaphore, #tpu.memory_space<semaphore_mem>>) src(%dma_wait3A_47 : memref<64x128xf32, #tpu.memory_space<vmem>>) dst(%dma_wait3A_44 : memref<64x128xf32, #tpu.memory_space<vmem_shared>>)
      tpu.yield
    }) : () -> ()
    %add3A_9 = arith.constant 192 : i32
    %add3A_10 = arith.addi %mul3A_2, %add3A_9 : i32
    "tpu.region"() ({
      %run_scoped3A = tpu.sem_alloc : memref<!tpu.dma_semaphore, #tpu.memory_space<semaphore_mem>>
      %dma_start3A = arith.constant 0 : i32
      %dma_start3A_30 = arith.constant 0 : i32
      %dma_start3A_31 = tpu.memref_slice %arg7[%dma_start3A, %dma_start3A_30] : memref<64x128xf32, #tpu.memory_space<vmem>> -> memref<64x128xf32, #tpu.memory_space<vmem>>
      %dma_start3A_32 = arith.constant 0 : i32
      %dma_start3A_33 = tpu.memref_slice %arg8[%add3A_10, %dma_start3A_32] : memref<10112x128xf32, #tpu.memory_space<vmem_shared>> -> memref<64x128xf32, #tpu.memory_space<vmem_shared>>
      %dma_start3A_34 = arith.constant 0 : i32
      %dma_start3A_35 = tpu.memref_slice %arg8[%add3A_10, %dma_start3A_34] : memref<10112x128xf32, #tpu.memory_space<vmem_shared>> -> memref<64x128xf32, #tpu.memory_space<vmem_shared>>
      %dma_start3A_36 = arith.constant 0 : i32
      %dma_start3A_37 = arith.constant 0 : i32
      %dma_start3A_38 = tpu.memref_slice %arg7[%dma_start3A_36, %dma_start3A_37] : memref<64x128xf32, #tpu.memory_space<vmem>> -> memref<64x128xf32, #tpu.memory_space<vmem>>
      tpu.enqueue_dma source(%dma_start3A_38 : memref<64x128xf32, #tpu.memory_space<vmem>>) target(%dma_start3A_35 : memref<64x128xf32, #tpu.memory_space<vmem_shared>>) target_semaphore(%run_scoped3A : memref<!tpu.dma_semaphore, #tpu.memory_space<semaphore_mem>>)
      %dma_wait3A = arith.constant 0 : i32
      %dma_wait3A_39 = arith.constant 0 : i32
      %dma_wait3A_40 = tpu.memref_slice %arg7[%dma_wait3A, %dma_wait3A_39] : memref<64x128xf32, #tpu.memory_space<vmem>> -> memref<64x128xf32, #tpu.memory_space<vmem>>
      %dma_wait3A_41 = arith.constant 0 : i32
      %dma_wait3A_42 = tpu.memref_slice %arg8[%add3A_10, %dma_wait3A_41] : memref<10112x128xf32, #tpu.memory_space<vmem_shared>> -> memref<64x128xf32, #tpu.memory_space<vmem_shared>>
      %dma_wait3A_43 = arith.constant 0 : i32
      %dma_wait3A_44 = tpu.memref_slice %arg8[%add3A_10, %dma_wait3A_43] : memref<10112x128xf32, #tpu.memory_space<vmem_shared>> -> memref<64x128xf32, #tpu.memory_space<vmem_shared>>
      %dma_wait3A_45 = arith.constant 0 : i32
      %dma_wait3A_46 = arith.constant 0 : i32
      %dma_wait3A_47 = tpu.memref_slice %arg7[%dma_wait3A_45, %dma_wait3A_46] : memref<64x128xf32, #tpu.memory_space<vmem>> -> memref<64x128xf32, #tpu.memory_space<vmem>>
      tpu.wait_dma2 semaphore(%run_scoped3A : memref<!tpu.dma_semaphore, #tpu.memory_space<semaphore_mem>>) src(%dma_wait3A_47 : memref<64x128xf32, #tpu.memory_space<vmem>>) dst(%dma_wait3A_44 : memref<64x128xf32, #tpu.memory_space<vmem_shared>>)
      tpu.yield
    }) : () -> ()
    %add3A_11 = arith.constant 256 : i32
    %add3A_12 = arith.addi %mul3A_2, %add3A_11 : i32
    "tpu.region"() ({
      %run_scoped3A = tpu.sem_alloc : memref<!tpu.dma_semaphore, #tpu.memory_space<semaphore_mem>>
      %dma_start3A = arith.constant 0 : i32
      %dma_start3A_30 = arith.constant 0 : i32
      %dma_start3A_31 = tpu.memref_slice %arg7[%dma_start3A, %dma_start3A_30] : memref<64x128xf32, #tpu.memory_space<vmem>> -> memref<64x128xf32, #tpu.memory_space<vmem>>
      %dma_start3A_32 = arith.constant 0 : i32
      %dma_start3A_33 = tpu.memref_slice %arg8[%add3A_12, %dma_start3A_32] : memref<10112x128xf32, #tpu.memory_space<vmem_shared>> -> memref<64x128xf32, #tpu.memory_space<vmem_shared>>
      %dma_start3A_34 = arith.constant 0 : i32
      %dma_start3A_35 = tpu.memref_slice %arg8[%add3A_12, %dma_start3A_34] : memref<10112x128xf32, #tpu.memory_space<vmem_shared>> -> memref<64x128xf32, #tpu.memory_space<vmem_shared>>
      %dma_start3A_36 = arith.constant 0 : i32
      %dma_start3A_37 = arith.constant 0 : i32
      %dma_start3A_38 = tpu.memref_slice %arg7[%dma_start3A_36, %dma_start3A_37] : memref<64x128xf32, #tpu.memory_space<vmem>> -> memref<64x128xf32, #tpu.memory_space<vmem>>
      tpu.enqueue_dma source(%dma_start3A_38 : memref<64x128xf32, #tpu.memory_space<vmem>>) target(%dma_start3A_35 : memref<64x128xf32, #tpu.memory_space<vmem_shared>>) target_semaphore(%run_scoped3A : memref<!tpu.dma_semaphore, #tpu.memory_space<semaphore_mem>>)
      %dma_wait3A = arith.constant 0 : i32
      %dma_wait3A_39 = arith.constant 0 : i32
      %dma_wait3A_40 = tpu.memref_slice %arg7[%dma_wait3A, %dma_wait3A_39] : memref<64x128xf32, #tpu.memory_space<vmem>> -> memref<64x128xf32, #tpu.memory_space<vmem>>
      %dma_wait3A_41 = arith.constant 0 : i32
      %dma_wait3A_42 = tpu.memref_slice %arg8[%add3A_12, %dma_wait3A_41] : memref<10112x128xf32, #tpu.memory_space<vmem_shared>> -> memref<64x128xf32, #tpu.memory_space<vmem_shared>>
      %dma_wait3A_43 = arith.constant 0 : i32
      %dma_wait3A_44 = tpu.memref_slice %arg8[%add3A_12, %dma_wait3A_43] : memref<10112x128xf32, #tpu.memory_space<vmem_shared>> -> memref<64x128xf32, #tpu.memory_space<vmem_shared>>
      %dma_wait3A_45 = arith.constant 0 : i32
      %dma_wait3A_46 = arith.constant 0 : i32
      %dma_wait3A_47 = tpu.memref_slice %arg7[%dma_wait3A_45, %dma_wait3A_46] : memref<64x128xf32, #tpu.memory_space<vmem>> -> memref<64x128xf32, #tpu.memory_space<vmem>>
      tpu.wait_dma2 semaphore(%run_scoped3A : memref<!tpu.dma_semaphore, #tpu.memory_space<semaphore_mem>>) src(%dma_wait3A_47 : memref<64x128xf32, #tpu.memory_space<vmem>>) dst(%dma_wait3A_44 : memref<64x128xf32, #tpu.memory_space<vmem_shared>>)
      tpu.yield
    }) : () -> ()
    %add3A_13 = arith.constant 320 : i32
    %add3A_14 = arith.addi %mul3A_2, %add3A_13 : i32
    "tpu.region"() ({
      %run_scoped3A = tpu.sem_alloc : memref<!tpu.dma_semaphore, #tpu.memory_space<semaphore_mem>>
      %dma_start3A = arith.constant 0 : i32
      %dma_start3A_30 = arith.constant 0 : i32
      %dma_start3A_31 = tpu.memref_slice %arg7[%dma_start3A, %dma_start3A_30] : memref<64x128xf32, #tpu.memory_space<vmem>> -> memref<64x128xf32, #tpu.memory_space<vmem>>
      %dma_start3A_32 = arith.constant 0 : i32
      %dma_start3A_33 = tpu.memref_slice %arg8[%add3A_14, %dma_start3A_32] : memref<10112x128xf32, #tpu.memory_space<vmem_shared>> -> memref<64x128xf32, #tpu.memory_space<vmem_shared>>
      %dma_start3A_34 = arith.constant 0 : i32
      %dma_start3A_35 = tpu.memref_slice %arg8[%add3A_14, %dma_start3A_34] : memref<10112x128xf32, #tpu.memory_space<vmem_shared>> -> memref<64x128xf32, #tpu.memory_space<vmem_shared>>
      %dma_start3A_36 = arith.constant 0 : i32
      %dma_start3A_37 = arith.constant 0 : i32
      %dma_start3A_38 = tpu.memref_slice %arg7[%dma_start3A_36, %dma_start3A_37] : memref<64x128xf32, #tpu.memory_space<vmem>> -> memref<64x128xf32, #tpu.memory_space<vmem>>
      tpu.enqueue_dma source(%dma_start3A_38 : memref<64x128xf32, #tpu.memory_space<vmem>>) target(%dma_start3A_35 : memref<64x128xf32, #tpu.memory_space<vmem_shared>>) target_semaphore(%run_scoped3A : memref<!tpu.dma_semaphore, #tpu.memory_space<semaphore_mem>>)
      %dma_wait3A = arith.constant 0 : i32
      %dma_wait3A_39 = arith.constant 0 : i32
      %dma_wait3A_40 = tpu.memref_slice %arg7[%dma_wait3A, %dma_wait3A_39] : memref<64x128xf32, #tpu.memory_space<vmem>> -> memref<64x128xf32, #tpu.memory_space<vmem>>
      %dma_wait3A_41 = arith.constant 0 : i32
      %dma_wait3A_42 = tpu.memref_slice %arg8[%add3A_14, %dma_wait3A_41] : memref<10112x128xf32, #tpu.memory_space<vmem_shared>> -> memref<64x128xf32, #tpu.memory_space<vmem_shared>>
      %dma_wait3A_43 = arith.constant 0 : i32
      %dma_wait3A_44 = tpu.memref_slice %arg8[%add3A_14, %dma_wait3A_43] : memref<10112x128xf32, #tpu.memory_space<vmem_shared>> -> memref<64x128xf32, #tpu.memory_space<vmem_shared>>
      %dma_wait3A_45 = arith.constant 0 : i32
      %dma_wait3A_46 = arith.constant 0 : i32
      %dma_wait3A_47 = tpu.memref_slice %arg7[%dma_wait3A_45, %dma_wait3A_46] : memref<64x128xf32, #tpu.memory_space<vmem>> -> memref<64x128xf32, #tpu.memory_space<vmem>>
      tpu.wait_dma2 semaphore(%run_scoped3A : memref<!tpu.dma_semaphore, #tpu.memory_space<semaphore_mem>>) src(%dma_wait3A_47 : memref<64x128xf32, #tpu.memory_space<vmem>>) dst(%dma_wait3A_44 : memref<64x128xf32, #tpu.memory_space<vmem_shared>>)
      tpu.yield
    }) : () -> ()
    %add3A_15 = arith.constant 384 : i32
    %add3A_16 = arith.addi %mul3A_2, %add3A_15 : i32
    "tpu.region"() ({
      %run_scoped3A = tpu.sem_alloc : memref<!tpu.dma_semaphore, #tpu.memory_space<semaphore_mem>>
      %dma_start3A = arith.constant 0 : i32
      %dma_start3A_30 = arith.constant 0 : i32
      %dma_start3A_31 = tpu.memref_slice %arg7[%dma_start3A, %dma_start3A_30] : memref<64x128xf32, #tpu.memory_space<vmem>> -> memref<64x128xf32, #tpu.memory_space<vmem>>
      %dma_start3A_32 = arith.constant 0 : i32
      %dma_start3A_33 = tpu.memref_slice %arg8[%add3A_16, %dma_start3A_32] : memref<10112x128xf32, #tpu.memory_space<vmem_shared>> -> memref<64x128xf32, #tpu.memory_space<vmem_shared>>
      %dma_start3A_34 = arith.constant 0 : i32
      %dma_start3A_35 = tpu.memref_slice %arg8[%add3A_16, %dma_start3A_34] : memref<10112x128xf32, #tpu.memory_space<vmem_shared>> -> memref<64x128xf32, #tpu.memory_space<vmem_shared>>
      %dma_start3A_36 = arith.constant 0 : i32
      %dma_start3A_37 = arith.constant 0 : i32
      %dma_start3A_38 = tpu.memref_slice %arg7[%dma_start3A_36, %dma_start3A_37] : memref<64x128xf32, #tpu.memory_space<vmem>> -> memref<64x128xf32, #tpu.memory_space<vmem>>
      tpu.enqueue_dma source(%dma_start3A_38 : memref<64x128xf32, #tpu.memory_space<vmem>>) target(%dma_start3A_35 : memref<64x128xf32, #tpu.memory_space<vmem_shared>>) target_semaphore(%run_scoped3A : memref<!tpu.dma_semaphore, #tpu.memory_space<semaphore_mem>>)
      %dma_wait3A = arith.constant 0 : i32
      %dma_wait3A_39 = arith.constant 0 : i32
      %dma_wait3A_40 = tpu.memref_slice %arg7[%dma_wait3A, %dma_wait3A_39] : memref<64x128xf32, #tpu.memory_space<vmem>> -> memref<64x128xf32, #tpu.memory_space<vmem>>
      %dma_wait3A_41 = arith.constant 0 : i32
      %dma_wait3A_42 = tpu.memref_slice %arg8[%add3A_16, %dma_wait3A_41] : memref<10112x128xf32, #tpu.memory_space<vmem_shared>> -> memref<64x128xf32, #tpu.memory_space<vmem_shared>>
      %dma_wait3A_43 = arith.constant 0 : i32
      %dma_wait3A_44 = tpu.memref_slice %arg8[%add3A_16, %dma_wait3A_43] : memref<10112x128xf32, #tpu.memory_space<vmem_shared>> -> memref<64x128xf32, #tpu.memory_space<vmem_shared>>
      %dma_wait3A_45 = arith.constant 0 : i32
      %dma_wait3A_46 = arith.constant 0 : i32
      %dma_wait3A_47 = tpu.memref_slice %arg7[%dma_wait3A_45, %dma_wait3A_46] : memref<64x128xf32, #tpu.memory_space<vmem>> -> memref<64x128xf32, #tpu.memory_space<vmem>>
      tpu.wait_dma2 semaphore(%run_scoped3A : memref<!tpu.dma_semaphore, #tpu.memory_space<semaphore_mem>>) src(%dma_wait3A_47 : memref<64x128xf32, #tpu.memory_space<vmem>>) dst(%dma_wait3A_44 : memref<64x128xf32, #tpu.memory_space<vmem_shared>>)
      tpu.yield
    }) : () -> ()
    %add3A_17 = arith.constant 448 : i32
    %add3A_18 = arith.addi %mul3A_2, %add3A_17 : i32
    "tpu.region"() ({
      %run_scoped3A = tpu.sem_alloc : memref<!tpu.dma_semaphore, #tpu.memory_space<semaphore_mem>>
      %dma_start3A = arith.constant 0 : i32
      %dma_start3A_30 = arith.constant 0 : i32
      %dma_start3A_31 = tpu.memref_slice %arg7[%dma_start3A, %dma_start3A_30] : memref<64x128xf32, #tpu.memory_space<vmem>> -> memref<64x128xf32, #tpu.memory_space<vmem>>
      %dma_start3A_32 = arith.constant 0 : i32
      %dma_start3A_33 = tpu.memref_slice %arg8[%add3A_18, %dma_start3A_32] : memref<10112x128xf32, #tpu.memory_space<vmem_shared>> -> memref<64x128xf32, #tpu.memory_space<vmem_shared>>
      %dma_start3A_34 = arith.constant 0 : i32
      %dma_start3A_35 = tpu.memref_slice %arg8[%add3A_18, %dma_start3A_34] : memref<10112x128xf32, #tpu.memory_space<vmem_shared>> -> memref<64x128xf32, #tpu.memory_space<vmem_shared>>
      %dma_start3A_36 = arith.constant 0 : i32
      %dma_start3A_37 = arith.constant 0 : i32
      %dma_start3A_38 = tpu.memref_slice %arg7[%dma_start3A_36, %dma_start3A_37] : memref<64x128xf32, #tpu.memory_space<vmem>> -> memref<64x128xf32, #tpu.memory_space<vmem>>
      tpu.enqueue_dma source(%dma_start3A_38 : memref<64x128xf32, #tpu.memory_space<vmem>>) target(%dma_start3A_35 : memref<64x128xf32, #tpu.memory_space<vmem_shared>>) target_semaphore(%run_scoped3A : memref<!tpu.dma_semaphore, #tpu.memory_space<semaphore_mem>>)
      %dma_wait3A = arith.constant 0 : i32
      %dma_wait3A_39 = arith.constant 0 : i32
      %dma_wait3A_40 = tpu.memref_slice %arg7[%dma_wait3A, %dma_wait3A_39] : memref<64x128xf32, #tpu.memory_space<vmem>> -> memref<64x128xf32, #tpu.memory_space<vmem>>
      %dma_wait3A_41 = arith.constant 0 : i32
      %dma_wait3A_42 = tpu.memref_slice %arg8[%add3A_18, %dma_wait3A_41] : memref<10112x128xf32, #tpu.memory_space<vmem_shared>> -> memref<64x128xf32, #tpu.memory_space<vmem_shared>>
      %dma_wait3A_43 = arith.constant 0 : i32
      %dma_wait3A_44 = tpu.memref_slice %arg8[%add3A_18, %dma_wait3A_43] : memref<10112x128xf32, #tpu.memory_space<vmem_shared>> -> memref<64x128xf32, #tpu.memory_space<vmem_shared>>
      %dma_wait3A_45 = arith.constant 0 : i32
      %dma_wait3A_46 = arith.constant 0 : i32
      %dma_wait3A_47 = tpu.memref_slice %arg7[%dma_wait3A_45, %dma_wait3A_46] : memref<64x128xf32, #tpu.memory_space<vmem>> -> memref<64x128xf32, #tpu.memory_space<vmem>>
      tpu.wait_dma2 semaphore(%run_scoped3A : memref<!tpu.dma_semaphore, #tpu.memory_space<semaphore_mem>>) src(%dma_wait3A_47 : memref<64x128xf32, #tpu.memory_space<vmem>>) dst(%dma_wait3A_44 : memref<64x128xf32, #tpu.memory_space<vmem_shared>>)
      tpu.yield
    }) : () -> ()
    %add3A_19 = arith.constant 512 : i32
    %add3A_20 = arith.addi %mul3A_2, %add3A_19 : i32
    "tpu.region"() ({
      %run_scoped3A = tpu.sem_alloc : memref<!tpu.dma_semaphore, #tpu.memory_space<semaphore_mem>>
      %dma_start3A = arith.constant 0 : i32
      %dma_start3A_30 = arith.constant 0 : i32
      %dma_start3A_31 = tpu.memref_slice %arg7[%dma_start3A, %dma_start3A_30] : memref<64x128xf32, #tpu.memory_space<vmem>> -> memref<64x128xf32, #tpu.memory_space<vmem>>
      %dma_start3A_32 = arith.constant 0 : i32
      %dma_start3A_33 = tpu.memref_slice %arg8[%add3A_20, %dma_start3A_32] : memref<10112x128xf32, #tpu.memory_space<vmem_shared>> -> memref<64x128xf32, #tpu.memory_space<vmem_shared>>
      %dma_start3A_34 = arith.constant 0 : i32
      %dma_start3A_35 = tpu.memref_slice %arg8[%add3A_20, %dma_start3A_34] : memref<10112x128xf32, #tpu.memory_space<vmem_shared>> -> memref<64x128xf32, #tpu.memory_space<vmem_shared>>
      %dma_start3A_36 = arith.constant 0 : i32
      %dma_start3A_37 = arith.constant 0 : i32
      %dma_start3A_38 = tpu.memref_slice %arg7[%dma_start3A_36, %dma_start3A_37] : memref<64x128xf32, #tpu.memory_space<vmem>> -> memref<64x128xf32, #tpu.memory_space<vmem>>
      tpu.enqueue_dma source(%dma_start3A_38 : memref<64x128xf32, #tpu.memory_space<vmem>>) target(%dma_start3A_35 : memref<64x128xf32, #tpu.memory_space<vmem_shared>>) target_semaphore(%run_scoped3A : memref<!tpu.dma_semaphore, #tpu.memory_space<semaphore_mem>>)
      %dma_wait3A = arith.constant 0 : i32
      %dma_wait3A_39 = arith.constant 0 : i32
      %dma_wait3A_40 = tpu.memref_slice %arg7[%dma_wait3A, %dma_wait3A_39] : memref<64x128xf32, #tpu.memory_space<vmem>> -> memref<64x128xf32, #tpu.memory_space<vmem>>
      %dma_wait3A_41 = arith.constant 0 : i32
      %dma_wait3A_42 = tpu.memref_slice %arg8[%add3A_20, %dma_wait3A_41] : memref<10112x128xf32, #tpu.memory_space<vmem_shared>> -> memref<64x128xf32, #tpu.memory_space<vmem_shared>>
      %dma_wait3A_43 = arith.constant 0 : i32
      %dma_wait3A_44 = tpu.memref_slice %arg8[%add3A_20, %dma_wait3A_43] : memref<10112x128xf32, #tpu.memory_space<vmem_shared>> -> memref<64x128xf32, #tpu.memory_space<vmem_shared>>
      %dma_wait3A_45 = arith.constant 0 : i32
      %dma_wait3A_46 = arith.constant 0 : i32
      %dma_wait3A_47 = tpu.memref_slice %arg7[%dma_wait3A_45, %dma_wait3A_46] : memref<64x128xf32, #tpu.memory_space<vmem>> -> memref<64x128xf32, #tpu.memory_space<vmem>>
      tpu.wait_dma2 semaphore(%run_scoped3A : memref<!tpu.dma_semaphore, #tpu.memory_space<semaphore_mem>>) src(%dma_wait3A_47 : memref<64x128xf32, #tpu.memory_space<vmem>>) dst(%dma_wait3A_44 : memref<64x128xf32, #tpu.memory_space<vmem_shared>>)
      tpu.yield
    }) : () -> ()
    %add3A_21 = arith.constant 576 : i32
    %add3A_22 = arith.addi %mul3A_2, %add3A_21 : i32
    "tpu.region"() ({
      %run_scoped3A = tpu.sem_alloc : memref<!tpu.dma_semaphore, #tpu.memory_space<semaphore_mem>>
      %dma_start3A = arith.constant 0 : i32
      %dma_start3A_30 = arith.constant 0 : i32
      %dma_start3A_31 = tpu.memref_slice %arg7[%dma_start3A, %dma_start3A_30] : memref<64x128xf32, #tpu.memory_space<vmem>> -> memref<56x128xf32, #tpu.memory_space<vmem>>
      %dma_start3A_32 = arith.constant 0 : i32
      %dma_start3A_33 = tpu.memref_slice %arg8[%add3A_22, %dma_start3A_32] : memref<10112x128xf32, #tpu.memory_space<vmem_shared>> -> memref<56x128xf32, #tpu.memory_space<vmem_shared>>
      %dma_start3A_34 = arith.constant 0 : i32
      %dma_start3A_35 = tpu.memref_slice %arg8[%add3A_22, %dma_start3A_34] : memref<10112x128xf32, #tpu.memory_space<vmem_shared>> -> memref<56x128xf32, #tpu.memory_space<vmem_shared>>
      %dma_start3A_36 = arith.constant 0 : i32
      %dma_start3A_37 = arith.constant 0 : i32
      %dma_start3A_38 = tpu.memref_slice %arg7[%dma_start3A_36, %dma_start3A_37] : memref<64x128xf32, #tpu.memory_space<vmem>> -> memref<56x128xf32, #tpu.memory_space<vmem>>
      tpu.enqueue_dma source(%dma_start3A_38 : memref<56x128xf32, #tpu.memory_space<vmem>>) target(%dma_start3A_35 : memref<56x128xf32, #tpu.memory_space<vmem_shared>>) target_semaphore(%run_scoped3A : memref<!tpu.dma_semaphore, #tpu.memory_space<semaphore_mem>>)
      %dma_wait3A = arith.constant 0 : i32
      %dma_wait3A_39 = arith.constant 0 : i32
      %dma_wait3A_40 = tpu.memref_slice %arg7[%dma_wait3A, %dma_wait3A_39] : memref<64x128xf32, #tpu.memory_space<vmem>> -> memref<56x128xf32, #tpu.memory_space<vmem>>
      %dma_wait3A_41 = arith.constant 0 : i32
      %dma_wait3A_42 = tpu.memref_slice %arg8[%add3A_22, %dma_wait3A_41] : memref<10112x128xf32, #tpu.memory_space<vmem_shared>> -> memref<56x128xf32, #tpu.memory_space<vmem_shared>>
      %dma_wait3A_43 = arith.constant 0 : i32
      %dma_wait3A_44 = tpu.memref_slice %arg8[%add3A_22, %dma_wait3A_43] : memref<10112x128xf32, #tpu.memory_space<vmem_shared>> -> memref<56x128xf32, #tpu.memory_space<vmem_shared>>
      %dma_wait3A_45 = arith.constant 0 : i32
      %dma_wait3A_46 = arith.constant 0 : i32
      %dma_wait3A_47 = tpu.memref_slice %arg7[%dma_wait3A_45, %dma_wait3A_46] : memref<64x128xf32, #tpu.memory_space<vmem>> -> memref<56x128xf32, #tpu.memory_space<vmem>>
      tpu.wait_dma2 semaphore(%run_scoped3A : memref<!tpu.dma_semaphore, #tpu.memory_space<semaphore_mem>>) src(%dma_wait3A_47 : memref<56x128xf32, #tpu.memory_space<vmem>>) dst(%dma_wait3A_44 : memref<56x128xf32, #tpu.memory_space<vmem_shared>>)
      tpu.yield
    }) : () -> ()
    "tpu.region"() ({
      %run_scoped3A = tpu.sem_alloc : memref<!tpu.dma_semaphore, #tpu.memory_space<semaphore_mem>>
      tpu.enqueue_dma source(%arg4 : memref<64x128xf32, #tpu.memory_space<hbm>>) target(%arg7 : memref<64x128xf32, #tpu.memory_space<vmem>>) target_semaphore(%run_scoped3A : memref<!tpu.dma_semaphore, #tpu.memory_space<semaphore_mem>>)
      tpu.wait_dma2 semaphore(%run_scoped3A : memref<!tpu.dma_semaphore, #tpu.memory_space<semaphore_mem>>) src(%arg4 : memref<64x128xf32, #tpu.memory_space<hbm>>) dst(%arg7 : memref<64x128xf32, #tpu.memory_space<vmem>>)
      tpu.yield
    }) : () -> ()
    %barrier3A = arith.constant 0 : index
    tpu.barrier barrier_id(%barrier3A)
    %scan3A = arith.constant 0 : i32
    %scan3A_23 = arith.constant 0 : i32
    %scan3A_24 = arith.constant 20 : i32
    %scan3A_25 = arith.addi %scan3A_23, %scan3A_24 : i32
    %scan3A_26 = arith.constant 1 : i32
    %scan3A_27 = scf.for %scan3A_30 = %scan3A_23 to %scan3A_25 step %scan3A_26 iter_args(%scan3A_31 = %scan3A) -> (i32)  : i32 {
      "tpu.region"() ({
        %run_scoped3A_40 = tpu.sem_alloc : memref<!tpu.dma_semaphore, #tpu.memory_space<semaphore_mem>>
        %dma_start3A = arith.constant 0 : i32
        %dma_start3A_41 = arith.constant 0 : i32
        %dma_start3A_42 = tpu.memref_slice %arg2[%add3A, %scan3A_30, %dma_start3A, %dma_start3A_41] : memref<32x20x16x64xi32, #tpu.memory_space<hbm>> -> memref<1x1x16x64xi32, #tpu.memory_space<hbm>>
        %dma_start3A_43 = tpu.memref_squeeze %dma_start3A_42 : memref<1x1x16x64xi32, #tpu.memory_space<hbm>> -> memref<16x64xi32, #tpu.memory_space<hbm>>
        %dma_start3A_44 = arith.constant 0 : i32
        %dma_start3A_45 = arith.constant 0 : i32
        %dma_start3A_46 = tpu.memref_slice %arg2[%add3A, %scan3A_30, %dma_start3A_44, %dma_start3A_45] : memref<32x20x16x64xi32, #tpu.memory_space<hbm>> -> memref<1x1x16x64xi32, #tpu.memory_space<hbm>>
        %dma_start3A_47 = tpu.memref_squeeze %dma_start3A_46 : memref<1x1x16x64xi32, #tpu.memory_space<hbm>> -> memref<16x64xi32, #tpu.memory_space<hbm>>
        tpu.enqueue_dma source(%dma_start3A_47 : memref<16x64xi32, #tpu.memory_space<hbm>>) target(%arg6 : memref<16x64xi32, #tpu.memory_space<vmem>>) target_semaphore(%run_scoped3A_40 : memref<!tpu.dma_semaphore, #tpu.memory_space<semaphore_mem>>)
        %dma_wait3A = arith.constant 0 : i32
        %dma_wait3A_48 = arith.constant 0 : i32
        %dma_wait3A_49 = tpu.memref_slice %arg2[%add3A, %scan3A_30, %dma_wait3A, %dma_wait3A_48] : memref<32x20x16x64xi32, #tpu.memory_space<hbm>> -> memref<1x1x16x64xi32, #tpu.memory_space<hbm>>
        %dma_wait3A_50 = tpu.memref_squeeze %dma_wait3A_49 : memref<1x1x16x64xi32, #tpu.memory_space<hbm>> -> memref<16x64xi32, #tpu.memory_space<hbm>>
        %dma_wait3A_51 = arith.constant 0 : i32
        %dma_wait3A_52 = arith.constant 0 : i32
        %dma_wait3A_53 = tpu.memref_slice %arg2[%add3A, %scan3A_30, %dma_wait3A_51, %dma_wait3A_52] : memref<32x20x16x64xi32, #tpu.memory_space<hbm>> -> memref<1x1x16x64xi32, #tpu.memory_space<hbm>>
        %dma_wait3A_54 = tpu.memref_squeeze %dma_wait3A_53 : memref<1x1x16x64xi32, #tpu.memory_space<hbm>> -> memref<16x64xi32, #tpu.memory_space<hbm>>
        tpu.wait_dma2 semaphore(%run_scoped3A_40 : memref<!tpu.dma_semaphore, #tpu.memory_space<semaphore_mem>>) src(%dma_wait3A_54 : memref<16x64xi32, #tpu.memory_space<hbm>>) dst(%arg6 : memref<16x64xi32, #tpu.memory_space<vmem>>)
        tpu.yield
      }) : () -> ()
      %run_scoped3A = arith.constant 8 : i32
      "tpu.region"() ({
        %run_scoped3A_40 = tpu.sem_alloc : memref<!tpu.dma_semaphore, #tpu.memory_space<semaphore_mem>>
        %dma_start3A = arith.constant 0 : i32
        %dma_start3A_41 = tpu.memref_slice %arg6[%run_scoped3A, %dma_start3A] : memref<16x64xi32, #tpu.memory_space<vmem>> -> memref<1x64xi32, #tpu.memory_space<vmem>>
        %dma_start3A_42 = tpu.memref_squeeze %dma_start3A_41 : memref<1x64xi32, #tpu.memory_space<vmem>> -> memref<64xi32, #tpu.memory_space<vmem>>
        %dma_start3A_43 = arith.constant 0 : i32
        %dma_start3A_44 = arith.constant 0 : i32
        %dma_start3A_45 = tpu.memref_slice %arg8[%dma_start3A_43, %dma_start3A_44] : memref<10112x128xf32, #tpu.memory_space<vmem_shared>> -> memref<10112x128xf32, #tpu.memory_space<vmem_shared>>
        tpu.enqueue_indirect_dma source(%arg7 : memref<64x128xf32, #tpu.memory_space<vmem>>) target(%dma_start3A_45 : memref<10112x128xf32, #tpu.memory_space<vmem_shared>>) offsets(%dma_start3A_42 : memref<64xi32, #tpu.memory_space<vmem>>) semaphore(%run_scoped3A_40 : memref<!tpu.dma_semaphore, #tpu.memory_space<semaphore_mem>>) {add = true}
        %dma_wait3A = arith.constant 0 : i32
        %dma_wait3A_46 = tpu.memref_slice %arg6[%run_scoped3A, %dma_wait3A] : memref<16x64xi32, #tpu.memory_space<vmem>> -> memref<1x64xi32, #tpu.memory_space<vmem>>
        %dma_wait3A_47 = tpu.memref_squeeze %dma_wait3A_46 : memref<1x64xi32, #tpu.memory_space<vmem>> -> memref<64xi32, #tpu.memory_space<vmem>>
        %dma_wait3A_48 = arith.constant 0 : i32
        %dma_wait3A_49 = arith.constant 0 : i32
        %dma_wait3A_50 = tpu.memref_slice %arg8[%dma_wait3A_48, %dma_wait3A_49] : memref<10112x128xf32, #tpu.memory_space<vmem_shared>> -> memref<10112x128xf32, #tpu.memory_space<vmem_shared>>
        tpu.wait_indirect_dma semaphore(%run_scoped3A_40 : memref<!tpu.dma_semaphore, #tpu.memory_space<semaphore_mem>>) src(%arg7 : memref<64x128xf32, #tpu.memory_space<vmem>>) dst(%dma_wait3A_50 : memref<10112x128xf32, #tpu.memory_space<vmem_shared>>)
        tpu.yield
      }) : () -> ()
      %run_scoped3A_32 = arith.constant 9 : i32
      "tpu.region"() ({
        %run_scoped3A_40 = tpu.sem_alloc : memref<!tpu.dma_semaphore, #tpu.memory_space<semaphore_mem>>
        %dma_start3A = arith.constant 0 : i32
        %dma_start3A_41 = tpu.memref_slice %arg6[%run_scoped3A_32, %dma_start3A] : memref<16x64xi32, #tpu.memory_space<vmem>> -> memref<1x64xi32, #tpu.memory_space<vmem>>
        %dma_start3A_42 = tpu.memref_squeeze %dma_start3A_41 : memref<1x64xi32, #tpu.memory_space<vmem>> -> memref<64xi32, #tpu.memory_space<vmem>>
        %dma_start3A_43 = arith.constant 0 : i32
        %dma_start3A_44 = arith.constant 0 : i32
        %dma_start3A_45 = tpu.memref_slice %arg8[%dma_start3A_43, %dma_start3A_44] : memref<10112x128xf32, #tpu.memory_space<vmem_shared>> -> memref<10112x128xf32, #tpu.memory_space<vmem_shared>>
        tpu.enqueue_indirect_dma source(%arg7 : memref<64x128xf32, #tpu.memory_space<vmem>>) target(%dma_start3A_45 : memref<10112x128xf32, #tpu.memory_space<vmem_shared>>) offsets(%dma_start3A_42 : memref<64xi32, #tpu.memory_space<vmem>>) semaphore(%run_scoped3A_40 : memref<!tpu.dma_semaphore, #tpu.memory_space<semaphore_mem>>) {add = true}
        %dma_wait3A = arith.constant 0 : i32
        %dma_wait3A_46 = tpu.memref_slice %arg6[%run_scoped3A_32, %dma_wait3A] : memref<16x64xi32, #tpu.memory_space<vmem>> -> memref<1x64xi32, #tpu.memory_space<vmem>>
        %dma_wait3A_47 = tpu.memref_squeeze %dma_wait3A_46 : memref<1x64xi32, #tpu.memory_space<vmem>> -> memref<64xi32, #tpu.memory_space<vmem>>
        %dma_wait3A_48 = arith.constant 0 : i32
        %dma_wait3A_49 = arith.constant 0 : i32
        %dma_wait3A_50 = tpu.memref_slice %arg8[%dma_wait3A_48, %dma_wait3A_49] : memref<10112x128xf32, #tpu.memory_space<vmem_shared>> -> memref<10112x128xf32, #tpu.memory_space<vmem_shared>>
        tpu.wait_indirect_dma semaphore(%run_scoped3A_40 : memref<!tpu.dma_semaphore, #tpu.memory_space<semaphore_mem>>) src(%arg7 : memref<64x128xf32, #tpu.memory_space<vmem>>) dst(%dma_wait3A_50 : memref<10112x128xf32, #tpu.memory_space<vmem_shared>>)
        tpu.yield
      }) : () -> ()
      %run_scoped3A_33 = arith.constant 10 : i32
      "tpu.region"() ({
        %run_scoped3A_40 = tpu.sem_alloc : memref<!tpu.dma_semaphore, #tpu.memory_space<semaphore_mem>>
        %dma_start3A = arith.constant 0 : i32
        %dma_start3A_41 = tpu.memref_slice %arg6[%run_scoped3A_33, %dma_start3A] : memref<16x64xi32, #tpu.memory_space<vmem>> -> memref<1x64xi32, #tpu.memory_space<vmem>>
        %dma_start3A_42 = tpu.memref_squeeze %dma_start3A_41 : memref<1x64xi32, #tpu.memory_space<vmem>> -> memref<64xi32, #tpu.memory_space<vmem>>
        %dma_start3A_43 = arith.constant 0 : i32
        %dma_start3A_44 = arith.constant 0 : i32
        %dma_start3A_45 = tpu.memref_slice %arg8[%dma_start3A_43, %dma_start3A_44] : memref<10112x128xf32, #tpu.memory_space<vmem_shared>> -> memref<10112x128xf32, #tpu.memory_space<vmem_shared>>
        tpu.enqueue_indirect_dma source(%arg7 : memref<64x128xf32, #tpu.memory_space<vmem>>) target(%dma_start3A_45 : memref<10112x128xf32, #tpu.memory_space<vmem_shared>>) offsets(%dma_start3A_42 : memref<64xi32, #tpu.memory_space<vmem>>) semaphore(%run_scoped3A_40 : memref<!tpu.dma_semaphore, #tpu.memory_space<semaphore_mem>>) {add = true}
        %dma_wait3A = arith.constant 0 : i32
        %dma_wait3A_46 = tpu.memref_slice %arg6[%run_scoped3A_33, %dma_wait3A] : memref<16x64xi32, #tpu.memory_space<vmem>> -> memref<1x64xi32, #tpu.memory_space<vmem>>
        %dma_wait3A_47 = tpu.memref_squeeze %dma_wait3A_46 : memref<1x64xi32, #tpu.memory_space<vmem>> -> memref<64xi32, #tpu.memory_space<vmem>>
        %dma_wait3A_48 = arith.constant 0 : i32
        %dma_wait3A_49 = arith.constant 0 : i32
        %dma_wait3A_50 = tpu.memref_slice %arg8[%dma_wait3A_48, %dma_wait3A_49] : memref<10112x128xf32, #tpu.memory_space<vmem_shared>> -> memref<10112x128xf32, #tpu.memory_space<vmem_shared>>
        tpu.wait_indirect_dma semaphore(%run_scoped3A_40 : memref<!tpu.dma_semaphore, #tpu.memory_space<semaphore_mem>>) src(%arg7 : memref<64x128xf32, #tpu.memory_space<vmem>>) dst(%dma_wait3A_50 : memref<10112x128xf32, #tpu.memory_space<vmem_shared>>)
        tpu.yield
      }) : () -> ()
      %run_scoped3A_34 = arith.constant 11 : i32
      "tpu.region"() ({
        %run_scoped3A_40 = tpu.sem_alloc : memref<!tpu.dma_semaphore, #tpu.memory_space<semaphore_mem>>
        %dma_start3A = arith.constant 0 : i32
        %dma_start3A_41 = tpu.memref_slice %arg6[%run_scoped3A_34, %dma_start3A] : memref<16x64xi32, #tpu.memory_space<vmem>> -> memref<1x64xi32, #tpu.memory_space<vmem>>
        %dma_start3A_42 = tpu.memref_squeeze %dma_start3A_41 : memref<1x64xi32, #tpu.memory_space<vmem>> -> memref<64xi32, #tpu.memory_space<vmem>>
        %dma_start3A_43 = arith.constant 0 : i32
        %dma_start3A_44 = arith.constant 0 : i32
        %dma_start3A_45 = tpu.memref_slice %arg8[%dma_start3A_43, %dma_start3A_44] : memref<10112x128xf32, #tpu.memory_space<vmem_shared>> -> memref<10112x128xf32, #tpu.memory_space<vmem_shared>>
        tpu.enqueue_indirect_dma source(%arg7 : memref<64x128xf32, #tpu.memory_space<vmem>>) target(%dma_start3A_45 : memref<10112x128xf32, #tpu.memory_space<vmem_shared>>) offsets(%dma_start3A_42 : memref<64xi32, #tpu.memory_space<vmem>>) semaphore(%run_scoped3A_40 : memref<!tpu.dma_semaphore, #tpu.memory_space<semaphore_mem>>) {add = true}
        %dma_wait3A = arith.constant 0 : i32
        %dma_wait3A_46 = tpu.memref_slice %arg6[%run_scoped3A_34, %dma_wait3A] : memref<16x64xi32, #tpu.memory_space<vmem>> -> memref<1x64xi32, #tpu.memory_space<vmem>>
        %dma_wait3A_47 = tpu.memref_squeeze %dma_wait3A_46 : memref<1x64xi32, #tpu.memory_space<vmem>> -> memref<64xi32, #tpu.memory_space<vmem>>
        %dma_wait3A_48 = arith.constant 0 : i32
        %dma_wait3A_49 = arith.constant 0 : i32
        %dma_wait3A_50 = tpu.memref_slice %arg8[%dma_wait3A_48, %dma_wait3A_49] : memref<10112x128xf32, #tpu.memory_space<vmem_shared>> -> memref<10112x128xf32, #tpu.memory_space<vmem_shared>>
        tpu.wait_indirect_dma semaphore(%run_scoped3A_40 : memref<!tpu.dma_semaphore, #tpu.memory_space<semaphore_mem>>) src(%arg7 : memref<64x128xf32, #tpu.memory_space<vmem>>) dst(%dma_wait3A_50 : memref<10112x128xf32, #tpu.memory_space<vmem_shared>>)
        tpu.yield
      }) : () -> ()
      %run_scoped3A_35 = arith.constant 12 : i32
      "tpu.region"() ({
        %run_scoped3A_40 = tpu.sem_alloc : memref<!tpu.dma_semaphore, #tpu.memory_space<semaphore_mem>>
        %dma_start3A = arith.constant 0 : i32
        %dma_start3A_41 = tpu.memref_slice %arg6[%run_scoped3A_35, %dma_start3A] : memref<16x64xi32, #tpu.memory_space<vmem>> -> memref<1x64xi32, #tpu.memory_space<vmem>>
        %dma_start3A_42 = tpu.memref_squeeze %dma_start3A_41 : memref<1x64xi32, #tpu.memory_space<vmem>> -> memref<64xi32, #tpu.memory_space<vmem>>
        %dma_start3A_43 = arith.constant 0 : i32
        %dma_start3A_44 = arith.constant 0 : i32
        %dma_start3A_45 = tpu.memref_slice %arg8[%dma_start3A_43, %dma_start3A_44] : memref<10112x128xf32, #tpu.memory_space<vmem_shared>> -> memref<10112x128xf32, #tpu.memory_space<vmem_shared>>
        tpu.enqueue_indirect_dma source(%arg7 : memref<64x128xf32, #tpu.memory_space<vmem>>) target(%dma_start3A_45 : memref<10112x128xf32, #tpu.memory_space<vmem_shared>>) offsets(%dma_start3A_42 : memref<64xi32, #tpu.memory_space<vmem>>) semaphore(%run_scoped3A_40 : memref<!tpu.dma_semaphore, #tpu.memory_space<semaphore_mem>>) {add = true}
        %dma_wait3A = arith.constant 0 : i32
        %dma_wait3A_46 = tpu.memref_slice %arg6[%run_scoped3A_35, %dma_wait3A] : memref<16x64xi32, #tpu.memory_space<vmem>> -> memref<1x64xi32, #tpu.memory_space<vmem>>
        %dma_wait3A_47 = tpu.memref_squeeze %dma_wait3A_46 : memref<1x64xi32, #tpu.memory_space<vmem>> -> memref<64xi32, #tpu.memory_space<vmem>>
        %dma_wait3A_48 = arith.constant 0 : i32
        %dma_wait3A_49 = arith.constant 0 : i32
        %dma_wait3A_50 = tpu.memref_slice %arg8[%dma_wait3A_48, %dma_wait3A_49] : memref<10112x128xf32, #tpu.memory_space<vmem_shared>> -> memref<10112x128xf32, #tpu.memory_space<vmem_shared>>
        tpu.wait_indirect_dma semaphore(%run_scoped3A_40 : memref<!tpu.dma_semaphore, #tpu.memory_space<semaphore_mem>>) src(%arg7 : memref<64x128xf32, #tpu.memory_space<vmem>>) dst(%dma_wait3A_50 : memref<10112x128xf32, #tpu.memory_space<vmem_shared>>)
        tpu.yield
      }) : () -> ()
      %run_scoped3A_36 = arith.constant 13 : i32
      "tpu.region"() ({
        %run_scoped3A_40 = tpu.sem_alloc : memref<!tpu.dma_semaphore, #tpu.memory_space<semaphore_mem>>
        %dma_start3A = arith.constant 0 : i32
        %dma_start3A_41 = tpu.memref_slice %arg6[%run_scoped3A_36, %dma_start3A] : memref<16x64xi32, #tpu.memory_space<vmem>> -> memref<1x64xi32, #tpu.memory_space<vmem>>
        %dma_start3A_42 = tpu.memref_squeeze %dma_start3A_41 : memref<1x64xi32, #tpu.memory_space<vmem>> -> memref<64xi32, #tpu.memory_space<vmem>>
        %dma_start3A_43 = arith.constant 0 : i32
        %dma_start3A_44 = arith.constant 0 : i32
        %dma_start3A_45 = tpu.memref_slice %arg8[%dma_start3A_43, %dma_start3A_44] : memref<10112x128xf32, #tpu.memory_space<vmem_shared>> -> memref<10112x128xf32, #tpu.memory_space<vmem_shared>>
        tpu.enqueue_indirect_dma source(%arg7 : memref<64x128xf32, #tpu.memory_space<vmem>>) target(%dma_start3A_45 : memref<10112x128xf32, #tpu.memory_space<vmem_shared>>) offsets(%dma_start3A_42 : memref<64xi32, #tpu.memory_space<vmem>>) semaphore(%run_scoped3A_40 : memref<!tpu.dma_semaphore, #tpu.memory_space<semaphore_mem>>) {add = true}
        %dma_wait3A = arith.constant 0 : i32
        %dma_wait3A_46 = tpu.memref_slice %arg6[%run_scoped3A_36, %dma_wait3A] : memref<16x64xi32, #tpu.memory_space<vmem>> -> memref<1x64xi32, #tpu.memory_space<vmem>>
        %dma_wait3A_47 = tpu.memref_squeeze %dma_wait3A_46 : memref<1x64xi32, #tpu.memory_space<vmem>> -> memref<64xi32, #tpu.memory_space<vmem>>
        %dma_wait3A_48 = arith.constant 0 : i32
        %dma_wait3A_49 = arith.constant 0 : i32
        %dma_wait3A_50 = tpu.memref_slice %arg8[%dma_wait3A_48, %dma_wait3A_49] : memref<10112x128xf32, #tpu.memory_space<vmem_shared>> -> memref<10112x128xf32, #tpu.memory_space<vmem_shared>>
        tpu.wait_indirect_dma semaphore(%run_scoped3A_40 : memref<!tpu.dma_semaphore, #tpu.memory_space<semaphore_mem>>) src(%arg7 : memref<64x128xf32, #tpu.memory_space<vmem>>) dst(%dma_wait3A_50 : memref<10112x128xf32, #tpu.memory_space<vmem_shared>>)
        tpu.yield
      }) : () -> ()
      %run_scoped3A_37 = arith.constant 14 : i32
      "tpu.region"() ({
        %run_scoped3A_40 = tpu.sem_alloc : memref<!tpu.dma_semaphore, #tpu.memory_space<semaphore_mem>>
        %dma_start3A = arith.constant 0 : i32
        %dma_start3A_41 = tpu.memref_slice %arg6[%run_scoped3A_37, %dma_start3A] : memref<16x64xi32, #tpu.memory_space<vmem>> -> memref<1x64xi32, #tpu.memory_space<vmem>>
        %dma_start3A_42 = tpu.memref_squeeze %dma_start3A_41 : memref<1x64xi32, #tpu.memory_space<vmem>> -> memref<64xi32, #tpu.memory_space<vmem>>
        %dma_start3A_43 = arith.constant 0 : i32
        %dma_start3A_44 = arith.constant 0 : i32
        %dma_start3A_45 = tpu.memref_slice %arg8[%dma_start3A_43, %dma_start3A_44] : memref<10112x128xf32, #tpu.memory_space<vmem_shared>> -> memref<10112x128xf32, #tpu.memory_space<vmem_shared>>
        tpu.enqueue_indirect_dma source(%arg7 : memref<64x128xf32, #tpu.memory_space<vmem>>) target(%dma_start3A_45 : memref<10112x128xf32, #tpu.memory_space<vmem_shared>>) offsets(%dma_start3A_42 : memref<64xi32, #tpu.memory_space<vmem>>) semaphore(%run_scoped3A_40 : memref<!tpu.dma_semaphore, #tpu.memory_space<semaphore_mem>>) {add = true}
        %dma_wait3A = arith.constant 0 : i32
        %dma_wait3A_46 = tpu.memref_slice %arg6[%run_scoped3A_37, %dma_wait3A] : memref<16x64xi32, #tpu.memory_space<vmem>> -> memref<1x64xi32, #tpu.memory_space<vmem>>
        %dma_wait3A_47 = tpu.memref_squeeze %dma_wait3A_46 : memref<1x64xi32, #tpu.memory_space<vmem>> -> memref<64xi32, #tpu.memory_space<vmem>>
        %dma_wait3A_48 = arith.constant 0 : i32
        %dma_wait3A_49 = arith.constant 0 : i32
        %dma_wait3A_50 = tpu.memref_slice %arg8[%dma_wait3A_48, %dma_wait3A_49] : memref<10112x128xf32, #tpu.memory_space<vmem_shared>> -> memref<10112x128xf32, #tpu.memory_space<vmem_shared>>
        tpu.wait_indirect_dma semaphore(%run_scoped3A_40 : memref<!tpu.dma_semaphore, #tpu.memory_space<semaphore_mem>>) src(%arg7 : memref<64x128xf32, #tpu.memory_space<vmem>>) dst(%dma_wait3A_50 : memref<10112x128xf32, #tpu.memory_space<vmem_shared>>)
        tpu.yield
      }) : () -> ()
      %run_scoped3A_38 = arith.constant 15 : i32
      "tpu.region"() ({
        %run_scoped3A_40 = tpu.sem_alloc : memref<!tpu.dma_semaphore, #tpu.memory_space<semaphore_mem>>
        %dma_start3A = arith.constant 0 : i32
        %dma_start3A_41 = tpu.memref_slice %arg6[%run_scoped3A_38, %dma_start3A] : memref<16x64xi32, #tpu.memory_space<vmem>> -> memref<1x64xi32, #tpu.memory_space<vmem>>
        %dma_start3A_42 = tpu.memref_squeeze %dma_start3A_41 : memref<1x64xi32, #tpu.memory_space<vmem>> -> memref<64xi32, #tpu.memory_space<vmem>>
        %dma_start3A_43 = arith.constant 0 : i32
        %dma_start3A_44 = arith.constant 0 : i32
        %dma_start3A_45 = tpu.memref_slice %arg8[%dma_start3A_43, %dma_start3A_44] : memref<10112x128xf32, #tpu.memory_space<vmem_shared>> -> memref<10112x128xf32, #tpu.memory_space<vmem_shared>>
        tpu.enqueue_indirect_dma source(%arg7 : memref<64x128xf32, #tpu.memory_space<vmem>>) target(%dma_start3A_45 : memref<10112x128xf32, #tpu.memory_space<vmem_shared>>) offsets(%dma_start3A_42 : memref<64xi32, #tpu.memory_space<vmem>>) semaphore(%run_scoped3A_40 : memref<!tpu.dma_semaphore, #tpu.memory_space<semaphore_mem>>) {add = true}
        %dma_wait3A = arith.constant 0 : i32
        %dma_wait3A_46 = tpu.memref_slice %arg6[%run_scoped3A_38, %dma_wait3A] : memref<16x64xi32, #tpu.memory_space<vmem>> -> memref<1x64xi32, #tpu.memory_space<vmem>>
        %dma_wait3A_47 = tpu.memref_squeeze %dma_wait3A_46 : memref<1x64xi32, #tpu.memory_space<vmem>> -> memref<64xi32, #tpu.memory_space<vmem>>
        %dma_wait3A_48 = arith.constant 0 : i32
        %dma_wait3A_49 = arith.constant 0 : i32
        %dma_wait3A_50 = tpu.memref_slice %arg8[%dma_wait3A_48, %dma_wait3A_49] : memref<10112x128xf32, #tpu.memory_space<vmem_shared>> -> memref<10112x128xf32, #tpu.memory_space<vmem_shared>>
        tpu.wait_indirect_dma semaphore(%run_scoped3A_40 : memref<!tpu.dma_semaphore, #tpu.memory_space<semaphore_mem>>) src(%arg7 : memref<64x128xf32, #tpu.memory_space<vmem>>) dst(%dma_wait3A_50 : memref<10112x128xf32, #tpu.memory_space<vmem_shared>>)
        tpu.yield
      }) : () -> ()
      %scan3A_39 = arith.constant 0 : i32
      scf.yield %scan3A_39 : i32
    }
    %scan3A_28 = arith.constant 20 : i32
    %barrier3A_29 = arith.constant 0 : index
    tpu.barrier barrier_id(%barrier3A_29)
    "tpu.region"() ({
      %run_scoped3A = tpu.sem_alloc : memref<!tpu.dma_semaphore, #tpu.memory_space<semaphore_mem>>
      %dma_start3A = arith.constant 0 : i32
      %dma_start3A_30 = tpu.memref_slice %arg5[%arg0, %mul3A_2, %dma_start3A] : memref<2x10112x128xf32, #tpu.memory_space<hbm>> -> memref<1x632x128xf32, #tpu.memory_space<hbm>>
      %dma_start3A_31 = tpu.memref_squeeze %dma_start3A_30 : memref<1x632x128xf32, #tpu.memory_space<hbm>> -> memref<632x128xf32, #tpu.memory_space<hbm>>
      %dma_start3A_32 = arith.constant 0 : i32
      %dma_start3A_33 = tpu.memref_slice %arg8[%mul3A_2, %dma_start3A_32] : memref<10112x128xf32, #tpu.memory_space<vmem_shared>> -> memref<632x128xf32, #tpu.memory_space<vmem_shared>>
      tpu.enqueue_dma source(%dma_start3A_33 : memref<632x128xf32, #tpu.memory_space<vmem_shared>>) target(%dma_start3A_31 : memref<632x128xf32, #tpu.memory_space<hbm>>) target_semaphore(%run_scoped3A : memref<!tpu.dma_semaphore, #tpu.memory_space<semaphore_mem>>)
      %dma_wait3A = arith.constant 0 : i32
      %dma_wait3A_34 = tpu.memref_slice %arg5[%arg0, %mul3A_2, %dma_wait3A] : memref<2x10112x128xf32, #tpu.memory_space<hbm>> -> memref<1x632x128xf32, #tpu.memory_space<hbm>>
      %dma_wait3A_35 = tpu.memref_squeeze %dma_wait3A_34 : memref<1x632x128xf32, #tpu.memory_space<hbm>> -> memref<632x128xf32, #tpu.memory_space<hbm>>
      %dma_wait3A_36 = arith.constant 0 : i32
      %dma_wait3A_37 = tpu.memref_slice %arg8[%mul3A_2, %dma_wait3A_36] : memref<10112x128xf32, #tpu.memory_space<vmem_shared>> -> memref<632x128xf32, #tpu.memory_space<vmem_shared>>
      tpu.wait_dma2 semaphore(%run_scoped3A : memref<!tpu.dma_semaphore, #tpu.memory_space<semaphore_mem>>) src(%dma_wait3A_37 : memref<632x128xf32, #tpu.memory_space<vmem_shared>>) dst(%dma_wait3A_35 : memref<632x128xf32, #tpu.memory_space<hbm>>)
      tpu.yield
    }) : () -> ()
    return
  }
}

#map = affine_map<(d0, d1) -> (0, 0)>
#map1 = affine_map<(d0, d1) -> (0, 0, 0, 0)>
#map2 = affine_map<(d0, d1) -> (0, 0, 0)>
module attributes {stable_mosaic.version = 14 : i64} {
  func.func @_sc_feat_body(%arg0: i32, %arg1: i32, %arg2: memref<10000x128xf32, #tpu.memory_space<hbm>>, %arg3: memref<32x20x16x64xi32, #tpu.memory_space<hbm>>, %arg4: memref<64x128xf32, #tpu.memory_space<hbm>>, %arg5: memref<2x10112x128xf32, #tpu.memory_space<hbm>>, %arg6: memref<16x64xi32, #tpu.memory_space<vmem>>, %arg7: memref<64x128xf32, #tpu.memory_space<vmem>>, %arg8: memref<64x128xf32, #tpu.memory_space<vmem>>, %arg9: memref<10112x128xf32, #tpu.memory_space<vmem_shared>>, %arg10: memref<!tpu.dma_semaphore, #tpu.memory_space<semaphore_mem>>, %arg11: memref<!tpu.dma_semaphore, #tpu.memory_space<semaphore_mem>>) attributes {dimension_semantics = [#tpu.dimension_semantics<core_parallel>, #tpu.dimension_semantics<subcore_parallel>], iteration_bounds = array<i64: 2, 16>, scalar_prefetch = 0 : i64, scratch_operands = 6 : i64, tpu.core_type = #tpu.core_type<sc_vector_subcore>, window_params = [{transform_indices = #map}, {transform_indices = #map1}, {transform_indices = #map}, {transform_indices = #map2}]} {
    %mul3A = arith.constant 16 : i32
    %mul3A_0 = arith.muli %arg0, %mul3A : i32
    %add3A = arith.addi %mul3A_0, %arg1 : i32
    "tpu.region"() ({
      %run_scoped3A = tpu.sem_alloc : memref<!tpu.dma_semaphore, #tpu.memory_space<semaphore_mem>>
      tpu.enqueue_dma source(%arg4 : memref<64x128xf32, #tpu.memory_space<hbm>>) target(%arg7 : memref<64x128xf32, #tpu.memory_space<vmem>>) target_semaphore(%run_scoped3A : memref<!tpu.dma_semaphore, #tpu.memory_space<semaphore_mem>>)
      tpu.wait_dma2 semaphore(%run_scoped3A : memref<!tpu.dma_semaphore, #tpu.memory_space<semaphore_mem>>) src(%arg4 : memref<64x128xf32, #tpu.memory_space<hbm>>) dst(%arg7 : memref<64x128xf32, #tpu.memory_space<vmem>>)
      tpu.yield
    }) : () -> ()
    %mul3A_1 = arith.constant 632 : i32
    %mul3A_2 = arith.muli %arg1, %mul3A_1 : i32
    %add3A_3 = arith.constant 0 : i32
    %add3A_4 = arith.addi %mul3A_2, %add3A_3 : i32
    "tpu.region"() ({
      %run_scoped3A = tpu.sem_alloc : memref<!tpu.dma_semaphore, #tpu.memory_space<semaphore_mem>>
      %dma_start3A = arith.constant 0 : i32
      %dma_start3A_30 = arith.constant 0 : i32
      %dma_start3A_31 = tpu.memref_slice %arg7[%dma_start3A, %dma_start3A_30] : memref<64x128xf32, #tpu.memory_space<vmem>> -> memref<64x128xf32, #tpu.memory_space<vmem>>
      %dma_start3A_32 = arith.constant 0 : i32
      %dma_start3A_33 = tpu.memref_slice %arg9[%add3A_4, %dma_start3A_32] : memref<10112x128xf32, #tpu.memory_space<vmem_shared>> -> memref<64x128xf32, #tpu.memory_space<vmem_shared>>
      %dma_start3A_34 = arith.constant 0 : i32
      %dma_start3A_35 = tpu.memref_slice %arg9[%add3A_4, %dma_start3A_34] : memref<10112x128xf32, #tpu.memory_space<vmem_shared>> -> memref<64x128xf32, #tpu.memory_space<vmem_shared>>
      %dma_start3A_36 = arith.constant 0 : i32
      %dma_start3A_37 = arith.constant 0 : i32
      %dma_start3A_38 = tpu.memref_slice %arg7[%dma_start3A_36, %dma_start3A_37] : memref<64x128xf32, #tpu.memory_space<vmem>> -> memref<64x128xf32, #tpu.memory_space<vmem>>
      tpu.enqueue_dma source(%dma_start3A_38 : memref<64x128xf32, #tpu.memory_space<vmem>>) target(%dma_start3A_35 : memref<64x128xf32, #tpu.memory_space<vmem_shared>>) target_semaphore(%run_scoped3A : memref<!tpu.dma_semaphore, #tpu.memory_space<semaphore_mem>>)
      %dma_wait3A = arith.constant 0 : i32
      %dma_wait3A_39 = arith.constant 0 : i32
      %dma_wait3A_40 = tpu.memref_slice %arg7[%dma_wait3A, %dma_wait3A_39] : memref<64x128xf32, #tpu.memory_space<vmem>> -> memref<64x128xf32, #tpu.memory_space<vmem>>
      %dma_wait3A_41 = arith.constant 0 : i32
      %dma_wait3A_42 = tpu.memref_slice %arg9[%add3A_4, %dma_wait3A_41] : memref<10112x128xf32, #tpu.memory_space<vmem_shared>> -> memref<64x128xf32, #tpu.memory_space<vmem_shared>>
      %dma_wait3A_43 = arith.constant 0 : i32
      %dma_wait3A_44 = tpu.memref_slice %arg9[%add3A_4, %dma_wait3A_43] : memref<10112x128xf32, #tpu.memory_space<vmem_shared>> -> memref<64x128xf32, #tpu.memory_space<vmem_shared>>
      %dma_wait3A_45 = arith.constant 0 : i32
      %dma_wait3A_46 = arith.constant 0 : i32
      %dma_wait3A_47 = tpu.memref_slice %arg7[%dma_wait3A_45, %dma_wait3A_46] : memref<64x128xf32, #tpu.memory_space<vmem>> -> memref<64x128xf32, #tpu.memory_space<vmem>>
      tpu.wait_dma2 semaphore(%run_scoped3A : memref<!tpu.dma_semaphore, #tpu.memory_space<semaphore_mem>>) src(%dma_wait3A_47 : memref<64x128xf32, #tpu.memory_space<vmem>>) dst(%dma_wait3A_44 : memref<64x128xf32, #tpu.memory_space<vmem_shared>>)
      tpu.yield
    }) : () -> ()
    %add3A_5 = arith.constant 64 : i32
    %add3A_6 = arith.addi %mul3A_2, %add3A_5 : i32
    "tpu.region"() ({
      %run_scoped3A = tpu.sem_alloc : memref<!tpu.dma_semaphore, #tpu.memory_space<semaphore_mem>>
      %dma_start3A = arith.constant 0 : i32
      %dma_start3A_30 = arith.constant 0 : i32
      %dma_start3A_31 = tpu.memref_slice %arg7[%dma_start3A, %dma_start3A_30] : memref<64x128xf32, #tpu.memory_space<vmem>> -> memref<64x128xf32, #tpu.memory_space<vmem>>
      %dma_start3A_32 = arith.constant 0 : i32
      %dma_start3A_33 = tpu.memref_slice %arg9[%add3A_6, %dma_start3A_32] : memref<10112x128xf32, #tpu.memory_space<vmem_shared>> -> memref<64x128xf32, #tpu.memory_space<vmem_shared>>
      %dma_start3A_34 = arith.constant 0 : i32
      %dma_start3A_35 = tpu.memref_slice %arg9[%add3A_6, %dma_start3A_34] : memref<10112x128xf32, #tpu.memory_space<vmem_shared>> -> memref<64x128xf32, #tpu.memory_space<vmem_shared>>
      %dma_start3A_36 = arith.constant 0 : i32
      %dma_start3A_37 = arith.constant 0 : i32
      %dma_start3A_38 = tpu.memref_slice %arg7[%dma_start3A_36, %dma_start3A_37] : memref<64x128xf32, #tpu.memory_space<vmem>> -> memref<64x128xf32, #tpu.memory_space<vmem>>
      tpu.enqueue_dma source(%dma_start3A_38 : memref<64x128xf32, #tpu.memory_space<vmem>>) target(%dma_start3A_35 : memref<64x128xf32, #tpu.memory_space<vmem_shared>>) target_semaphore(%run_scoped3A : memref<!tpu.dma_semaphore, #tpu.memory_space<semaphore_mem>>)
      %dma_wait3A = arith.constant 0 : i32
      %dma_wait3A_39 = arith.constant 0 : i32
      %dma_wait3A_40 = tpu.memref_slice %arg7[%dma_wait3A, %dma_wait3A_39] : memref<64x128xf32, #tpu.memory_space<vmem>> -> memref<64x128xf32, #tpu.memory_space<vmem>>
      %dma_wait3A_41 = arith.constant 0 : i32
      %dma_wait3A_42 = tpu.memref_slice %arg9[%add3A_6, %dma_wait3A_41] : memref<10112x128xf32, #tpu.memory_space<vmem_shared>> -> memref<64x128xf32, #tpu.memory_space<vmem_shared>>
      %dma_wait3A_43 = arith.constant 0 : i32
      %dma_wait3A_44 = tpu.memref_slice %arg9[%add3A_6, %dma_wait3A_43] : memref<10112x128xf32, #tpu.memory_space<vmem_shared>> -> memref<64x128xf32, #tpu.memory_space<vmem_shared>>
      %dma_wait3A_45 = arith.constant 0 : i32
      %dma_wait3A_46 = arith.constant 0 : i32
      %dma_wait3A_47 = tpu.memref_slice %arg7[%dma_wait3A_45, %dma_wait3A_46] : memref<64x128xf32, #tpu.memory_space<vmem>> -> memref<64x128xf32, #tpu.memory_space<vmem>>
      tpu.wait_dma2 semaphore(%run_scoped3A : memref<!tpu.dma_semaphore, #tpu.memory_space<semaphore_mem>>) src(%dma_wait3A_47 : memref<64x128xf32, #tpu.memory_space<vmem>>) dst(%dma_wait3A_44 : memref<64x128xf32, #tpu.memory_space<vmem_shared>>)
      tpu.yield
    }) : () -> ()
    %add3A_7 = arith.constant 128 : i32
    %add3A_8 = arith.addi %mul3A_2, %add3A_7 : i32
    "tpu.region"() ({
      %run_scoped3A = tpu.sem_alloc : memref<!tpu.dma_semaphore, #tpu.memory_space<semaphore_mem>>
      %dma_start3A = arith.constant 0 : i32
      %dma_start3A_30 = arith.constant 0 : i32
      %dma_start3A_31 = tpu.memref_slice %arg7[%dma_start3A, %dma_start3A_30] : memref<64x128xf32, #tpu.memory_space<vmem>> -> memref<64x128xf32, #tpu.memory_space<vmem>>
      %dma_start3A_32 = arith.constant 0 : i32
      %dma_start3A_33 = tpu.memref_slice %arg9[%add3A_8, %dma_start3A_32] : memref<10112x128xf32, #tpu.memory_space<vmem_shared>> -> memref<64x128xf32, #tpu.memory_space<vmem_shared>>
      %dma_start3A_34 = arith.constant 0 : i32
      %dma_start3A_35 = tpu.memref_slice %arg9[%add3A_8, %dma_start3A_34] : memref<10112x128xf32, #tpu.memory_space<vmem_shared>> -> memref<64x128xf32, #tpu.memory_space<vmem_shared>>
      %dma_start3A_36 = arith.constant 0 : i32
      %dma_start3A_37 = arith.constant 0 : i32
      %dma_start3A_38 = tpu.memref_slice %arg7[%dma_start3A_36, %dma_start3A_37] : memref<64x128xf32, #tpu.memory_space<vmem>> -> memref<64x128xf32, #tpu.memory_space<vmem>>
      tpu.enqueue_dma source(%dma_start3A_38 : memref<64x128xf32, #tpu.memory_space<vmem>>) target(%dma_start3A_35 : memref<64x128xf32, #tpu.memory_space<vmem_shared>>) target_semaphore(%run_scoped3A : memref<!tpu.dma_semaphore, #tpu.memory_space<semaphore_mem>>)
      %dma_wait3A = arith.constant 0 : i32
      %dma_wait3A_39 = arith.constant 0 : i32
      %dma_wait3A_40 = tpu.memref_slice %arg7[%dma_wait3A, %dma_wait3A_39] : memref<64x128xf32, #tpu.memory_space<vmem>> -> memref<64x128xf32, #tpu.memory_space<vmem>>
      %dma_wait3A_41 = arith.constant 0 : i32
      %dma_wait3A_42 = tpu.memref_slice %arg9[%add3A_8, %dma_wait3A_41] : memref<10112x128xf32, #tpu.memory_space<vmem_shared>> -> memref<64x128xf32, #tpu.memory_space<vmem_shared>>
      %dma_wait3A_43 = arith.constant 0 : i32
      %dma_wait3A_44 = tpu.memref_slice %arg9[%add3A_8, %dma_wait3A_43] : memref<10112x128xf32, #tpu.memory_space<vmem_shared>> -> memref<64x128xf32, #tpu.memory_space<vmem_shared>>
      %dma_wait3A_45 = arith.constant 0 : i32
      %dma_wait3A_46 = arith.constant 0 : i32
      %dma_wait3A_47 = tpu.memref_slice %arg7[%dma_wait3A_45, %dma_wait3A_46] : memref<64x128xf32, #tpu.memory_space<vmem>> -> memref<64x128xf32, #tpu.memory_space<vmem>>
      tpu.wait_dma2 semaphore(%run_scoped3A : memref<!tpu.dma_semaphore, #tpu.memory_space<semaphore_mem>>) src(%dma_wait3A_47 : memref<64x128xf32, #tpu.memory_space<vmem>>) dst(%dma_wait3A_44 : memref<64x128xf32, #tpu.memory_space<vmem_shared>>)
      tpu.yield
    }) : () -> ()
    %add3A_9 = arith.constant 192 : i32
    %add3A_10 = arith.addi %mul3A_2, %add3A_9 : i32
    "tpu.region"() ({
      %run_scoped3A = tpu.sem_alloc : memref<!tpu.dma_semaphore, #tpu.memory_space<semaphore_mem>>
      %dma_start3A = arith.constant 0 : i32
      %dma_start3A_30 = arith.constant 0 : i32
      %dma_start3A_31 = tpu.memref_slice %arg7[%dma_start3A, %dma_start3A_30] : memref<64x128xf32, #tpu.memory_space<vmem>> -> memref<64x128xf32, #tpu.memory_space<vmem>>
      %dma_start3A_32 = arith.constant 0 : i32
      %dma_start3A_33 = tpu.memref_slice %arg9[%add3A_10, %dma_start3A_32] : memref<10112x128xf32, #tpu.memory_space<vmem_shared>> -> memref<64x128xf32, #tpu.memory_space<vmem_shared>>
      %dma_start3A_34 = arith.constant 0 : i32
      %dma_start3A_35 = tpu.memref_slice %arg9[%add3A_10, %dma_start3A_34] : memref<10112x128xf32, #tpu.memory_space<vmem_shared>> -> memref<64x128xf32, #tpu.memory_space<vmem_shared>>
      %dma_start3A_36 = arith.constant 0 : i32
      %dma_start3A_37 = arith.constant 0 : i32
      %dma_start3A_38 = tpu.memref_slice %arg7[%dma_start3A_36, %dma_start3A_37] : memref<64x128xf32, #tpu.memory_space<vmem>> -> memref<64x128xf32, #tpu.memory_space<vmem>>
      tpu.enqueue_dma source(%dma_start3A_38 : memref<64x128xf32, #tpu.memory_space<vmem>>) target(%dma_start3A_35 : memref<64x128xf32, #tpu.memory_space<vmem_shared>>) target_semaphore(%run_scoped3A : memref<!tpu.dma_semaphore, #tpu.memory_space<semaphore_mem>>)
      %dma_wait3A = arith.constant 0 : i32
      %dma_wait3A_39 = arith.constant 0 : i32
      %dma_wait3A_40 = tpu.memref_slice %arg7[%dma_wait3A, %dma_wait3A_39] : memref<64x128xf32, #tpu.memory_space<vmem>> -> memref<64x128xf32, #tpu.memory_space<vmem>>
      %dma_wait3A_41 = arith.constant 0 : i32
      %dma_wait3A_42 = tpu.memref_slice %arg9[%add3A_10, %dma_wait3A_41] : memref<10112x128xf32, #tpu.memory_space<vmem_shared>> -> memref<64x128xf32, #tpu.memory_space<vmem_shared>>
      %dma_wait3A_43 = arith.constant 0 : i32
      %dma_wait3A_44 = tpu.memref_slice %arg9[%add3A_10, %dma_wait3A_43] : memref<10112x128xf32, #tpu.memory_space<vmem_shared>> -> memref<64x128xf32, #tpu.memory_space<vmem_shared>>
      %dma_wait3A_45 = arith.constant 0 : i32
      %dma_wait3A_46 = arith.constant 0 : i32
      %dma_wait3A_47 = tpu.memref_slice %arg7[%dma_wait3A_45, %dma_wait3A_46] : memref<64x128xf32, #tpu.memory_space<vmem>> -> memref<64x128xf32, #tpu.memory_space<vmem>>
      tpu.wait_dma2 semaphore(%run_scoped3A : memref<!tpu.dma_semaphore, #tpu.memory_space<semaphore_mem>>) src(%dma_wait3A_47 : memref<64x128xf32, #tpu.memory_space<vmem>>) dst(%dma_wait3A_44 : memref<64x128xf32, #tpu.memory_space<vmem_shared>>)
      tpu.yield
    }) : () -> ()
    %add3A_11 = arith.constant 256 : i32
    %add3A_12 = arith.addi %mul3A_2, %add3A_11 : i32
    "tpu.region"() ({
      %run_scoped3A = tpu.sem_alloc : memref<!tpu.dma_semaphore, #tpu.memory_space<semaphore_mem>>
      %dma_start3A = arith.constant 0 : i32
      %dma_start3A_30 = arith.constant 0 : i32
      %dma_start3A_31 = tpu.memref_slice %arg7[%dma_start3A, %dma_start3A_30] : memref<64x128xf32, #tpu.memory_space<vmem>> -> memref<64x128xf32, #tpu.memory_space<vmem>>
      %dma_start3A_32 = arith.constant 0 : i32
      %dma_start3A_33 = tpu.memref_slice %arg9[%add3A_12, %dma_start3A_32] : memref<10112x128xf32, #tpu.memory_space<vmem_shared>> -> memref<64x128xf32, #tpu.memory_space<vmem_shared>>
      %dma_start3A_34 = arith.constant 0 : i32
      %dma_start3A_35 = tpu.memref_slice %arg9[%add3A_12, %dma_start3A_34] : memref<10112x128xf32, #tpu.memory_space<vmem_shared>> -> memref<64x128xf32, #tpu.memory_space<vmem_shared>>
      %dma_start3A_36 = arith.constant 0 : i32
      %dma_start3A_37 = arith.constant 0 : i32
      %dma_start3A_38 = tpu.memref_slice %arg7[%dma_start3A_36, %dma_start3A_37] : memref<64x128xf32, #tpu.memory_space<vmem>> -> memref<64x128xf32, #tpu.memory_space<vmem>>
      tpu.enqueue_dma source(%dma_start3A_38 : memref<64x128xf32, #tpu.memory_space<vmem>>) target(%dma_start3A_35 : memref<64x128xf32, #tpu.memory_space<vmem_shared>>) target_semaphore(%run_scoped3A : memref<!tpu.dma_semaphore, #tpu.memory_space<semaphore_mem>>)
      %dma_wait3A = arith.constant 0 : i32
      %dma_wait3A_39 = arith.constant 0 : i32
      %dma_wait3A_40 = tpu.memref_slice %arg7[%dma_wait3A, %dma_wait3A_39] : memref<64x128xf32, #tpu.memory_space<vmem>> -> memref<64x128xf32, #tpu.memory_space<vmem>>
      %dma_wait3A_41 = arith.constant 0 : i32
      %dma_wait3A_42 = tpu.memref_slice %arg9[%add3A_12, %dma_wait3A_41] : memref<10112x128xf32, #tpu.memory_space<vmem_shared>> -> memref<64x128xf32, #tpu.memory_space<vmem_shared>>
      %dma_wait3A_43 = arith.constant 0 : i32
      %dma_wait3A_44 = tpu.memref_slice %arg9[%add3A_12, %dma_wait3A_43] : memref<10112x128xf32, #tpu.memory_space<vmem_shared>> -> memref<64x128xf32, #tpu.memory_space<vmem_shared>>
      %dma_wait3A_45 = arith.constant 0 : i32
      %dma_wait3A_46 = arith.constant 0 : i32
      %dma_wait3A_47 = tpu.memref_slice %arg7[%dma_wait3A_45, %dma_wait3A_46] : memref<64x128xf32, #tpu.memory_space<vmem>> -> memref<64x128xf32, #tpu.memory_space<vmem>>
      tpu.wait_dma2 semaphore(%run_scoped3A : memref<!tpu.dma_semaphore, #tpu.memory_space<semaphore_mem>>) src(%dma_wait3A_47 : memref<64x128xf32, #tpu.memory_space<vmem>>) dst(%dma_wait3A_44 : memref<64x128xf32, #tpu.memory_space<vmem_shared>>)
      tpu.yield
    }) : () -> ()
    %add3A_13 = arith.constant 320 : i32
    %add3A_14 = arith.addi %mul3A_2, %add3A_13 : i32
    "tpu.region"() ({
      %run_scoped3A = tpu.sem_alloc : memref<!tpu.dma_semaphore, #tpu.memory_space<semaphore_mem>>
      %dma_start3A = arith.constant 0 : i32
      %dma_start3A_30 = arith.constant 0 : i32
      %dma_start3A_31 = tpu.memref_slice %arg7[%dma_start3A, %dma_start3A_30] : memref<64x128xf32, #tpu.memory_space<vmem>> -> memref<64x128xf32, #tpu.memory_space<vmem>>
      %dma_start3A_32 = arith.constant 0 : i32
      %dma_start3A_33 = tpu.memref_slice %arg9[%add3A_14, %dma_start3A_32] : memref<10112x128xf32, #tpu.memory_space<vmem_shared>> -> memref<64x128xf32, #tpu.memory_space<vmem_shared>>
      %dma_start3A_34 = arith.constant 0 : i32
      %dma_start3A_35 = tpu.memref_slice %arg9[%add3A_14, %dma_start3A_34] : memref<10112x128xf32, #tpu.memory_space<vmem_shared>> -> memref<64x128xf32, #tpu.memory_space<vmem_shared>>
      %dma_start3A_36 = arith.constant 0 : i32
      %dma_start3A_37 = arith.constant 0 : i32
      %dma_start3A_38 = tpu.memref_slice %arg7[%dma_start3A_36, %dma_start3A_37] : memref<64x128xf32, #tpu.memory_space<vmem>> -> memref<64x128xf32, #tpu.memory_space<vmem>>
      tpu.enqueue_dma source(%dma_start3A_38 : memref<64x128xf32, #tpu.memory_space<vmem>>) target(%dma_start3A_35 : memref<64x128xf32, #tpu.memory_space<vmem_shared>>) target_semaphore(%run_scoped3A : memref<!tpu.dma_semaphore, #tpu.memory_space<semaphore_mem>>)
      %dma_wait3A = arith.constant 0 : i32
      %dma_wait3A_39 = arith.constant 0 : i32
      %dma_wait3A_40 = tpu.memref_slice %arg7[%dma_wait3A, %dma_wait3A_39] : memref<64x128xf32, #tpu.memory_space<vmem>> -> memref<64x128xf32, #tpu.memory_space<vmem>>
      %dma_wait3A_41 = arith.constant 0 : i32
      %dma_wait3A_42 = tpu.memref_slice %arg9[%add3A_14, %dma_wait3A_41] : memref<10112x128xf32, #tpu.memory_space<vmem_shared>> -> memref<64x128xf32, #tpu.memory_space<vmem_shared>>
      %dma_wait3A_43 = arith.constant 0 : i32
      %dma_wait3A_44 = tpu.memref_slice %arg9[%add3A_14, %dma_wait3A_43] : memref<10112x128xf32, #tpu.memory_space<vmem_shared>> -> memref<64x128xf32, #tpu.memory_space<vmem_shared>>
      %dma_wait3A_45 = arith.constant 0 : i32
      %dma_wait3A_46 = arith.constant 0 : i32
      %dma_wait3A_47 = tpu.memref_slice %arg7[%dma_wait3A_45, %dma_wait3A_46] : memref<64x128xf32, #tpu.memory_space<vmem>> -> memref<64x128xf32, #tpu.memory_space<vmem>>
      tpu.wait_dma2 semaphore(%run_scoped3A : memref<!tpu.dma_semaphore, #tpu.memory_space<semaphore_mem>>) src(%dma_wait3A_47 : memref<64x128xf32, #tpu.memory_space<vmem>>) dst(%dma_wait3A_44 : memref<64x128xf32, #tpu.memory_space<vmem_shared>>)
      tpu.yield
    }) : () -> ()
    %add3A_15 = arith.constant 384 : i32
    %add3A_16 = arith.addi %mul3A_2, %add3A_15 : i32
    "tpu.region"() ({
      %run_scoped3A = tpu.sem_alloc : memref<!tpu.dma_semaphore, #tpu.memory_space<semaphore_mem>>
      %dma_start3A = arith.constant 0 : i32
      %dma_start3A_30 = arith.constant 0 : i32
      %dma_start3A_31 = tpu.memref_slice %arg7[%dma_start3A, %dma_start3A_30] : memref<64x128xf32, #tpu.memory_space<vmem>> -> memref<64x128xf32, #tpu.memory_space<vmem>>
      %dma_start3A_32 = arith.constant 0 : i32
      %dma_start3A_33 = tpu.memref_slice %arg9[%add3A_16, %dma_start3A_32] : memref<10112x128xf32, #tpu.memory_space<vmem_shared>> -> memref<64x128xf32, #tpu.memory_space<vmem_shared>>
      %dma_start3A_34 = arith.constant 0 : i32
      %dma_start3A_35 = tpu.memref_slice %arg9[%add3A_16, %dma_start3A_34] : memref<10112x128xf32, #tpu.memory_space<vmem_shared>> -> memref<64x128xf32, #tpu.memory_space<vmem_shared>>
      %dma_start3A_36 = arith.constant 0 : i32
      %dma_start3A_37 = arith.constant 0 : i32
      %dma_start3A_38 = tpu.memref_slice %arg7[%dma_start3A_36, %dma_start3A_37] : memref<64x128xf32, #tpu.memory_space<vmem>> -> memref<64x128xf32, #tpu.memory_space<vmem>>
      tpu.enqueue_dma source(%dma_start3A_38 : memref<64x128xf32, #tpu.memory_space<vmem>>) target(%dma_start3A_35 : memref<64x128xf32, #tpu.memory_space<vmem_shared>>) target_semaphore(%run_scoped3A : memref<!tpu.dma_semaphore, #tpu.memory_space<semaphore_mem>>)
      %dma_wait3A = arith.constant 0 : i32
      %dma_wait3A_39 = arith.constant 0 : i32
      %dma_wait3A_40 = tpu.memref_slice %arg7[%dma_wait3A, %dma_wait3A_39] : memref<64x128xf32, #tpu.memory_space<vmem>> -> memref<64x128xf32, #tpu.memory_space<vmem>>
      %dma_wait3A_41 = arith.constant 0 : i32
      %dma_wait3A_42 = tpu.memref_slice %arg9[%add3A_16, %dma_wait3A_41] : memref<10112x128xf32, #tpu.memory_space<vmem_shared>> -> memref<64x128xf32, #tpu.memory_space<vmem_shared>>
      %dma_wait3A_43 = arith.constant 0 : i32
      %dma_wait3A_44 = tpu.memref_slice %arg9[%add3A_16, %dma_wait3A_43] : memref<10112x128xf32, #tpu.memory_space<vmem_shared>> -> memref<64x128xf32, #tpu.memory_space<vmem_shared>>
      %dma_wait3A_45 = arith.constant 0 : i32
      %dma_wait3A_46 = arith.constant 0 : i32
      %dma_wait3A_47 = tpu.memref_slice %arg7[%dma_wait3A_45, %dma_wait3A_46] : memref<64x128xf32, #tpu.memory_space<vmem>> -> memref<64x128xf32, #tpu.memory_space<vmem>>
      tpu.wait_dma2 semaphore(%run_scoped3A : memref<!tpu.dma_semaphore, #tpu.memory_space<semaphore_mem>>) src(%dma_wait3A_47 : memref<64x128xf32, #tpu.memory_space<vmem>>) dst(%dma_wait3A_44 : memref<64x128xf32, #tpu.memory_space<vmem_shared>>)
      tpu.yield
    }) : () -> ()
    %add3A_17 = arith.constant 448 : i32
    %add3A_18 = arith.addi %mul3A_2, %add3A_17 : i32
    "tpu.region"() ({
      %run_scoped3A = tpu.sem_alloc : memref<!tpu.dma_semaphore, #tpu.memory_space<semaphore_mem>>
      %dma_start3A = arith.constant 0 : i32
      %dma_start3A_30 = arith.constant 0 : i32
      %dma_start3A_31 = tpu.memref_slice %arg7[%dma_start3A, %dma_start3A_30] : memref<64x128xf32, #tpu.memory_space<vmem>> -> memref<64x128xf32, #tpu.memory_space<vmem>>
      %dma_start3A_32 = arith.constant 0 : i32
      %dma_start3A_33 = tpu.memref_slice %arg9[%add3A_18, %dma_start3A_32] : memref<10112x128xf32, #tpu.memory_space<vmem_shared>> -> memref<64x128xf32, #tpu.memory_space<vmem_shared>>
      %dma_start3A_34 = arith.constant 0 : i32
      %dma_start3A_35 = tpu.memref_slice %arg9[%add3A_18, %dma_start3A_34] : memref<10112x128xf32, #tpu.memory_space<vmem_shared>> -> memref<64x128xf32, #tpu.memory_space<vmem_shared>>
      %dma_start3A_36 = arith.constant 0 : i32
      %dma_start3A_37 = arith.constant 0 : i32
      %dma_start3A_38 = tpu.memref_slice %arg7[%dma_start3A_36, %dma_start3A_37] : memref<64x128xf32, #tpu.memory_space<vmem>> -> memref<64x128xf32, #tpu.memory_space<vmem>>
      tpu.enqueue_dma source(%dma_start3A_38 : memref<64x128xf32, #tpu.memory_space<vmem>>) target(%dma_start3A_35 : memref<64x128xf32, #tpu.memory_space<vmem_shared>>) target_semaphore(%run_scoped3A : memref<!tpu.dma_semaphore, #tpu.memory_space<semaphore_mem>>)
      %dma_wait3A = arith.constant 0 : i32
      %dma_wait3A_39 = arith.constant 0 : i32
      %dma_wait3A_40 = tpu.memref_slice %arg7[%dma_wait3A, %dma_wait3A_39] : memref<64x128xf32, #tpu.memory_space<vmem>> -> memref<64x128xf32, #tpu.memory_space<vmem>>
      %dma_wait3A_41 = arith.constant 0 : i32
      %dma_wait3A_42 = tpu.memref_slice %arg9[%add3A_18, %dma_wait3A_41] : memref<10112x128xf32, #tpu.memory_space<vmem_shared>> -> memref<64x128xf32, #tpu.memory_space<vmem_shared>>
      %dma_wait3A_43 = arith.constant 0 : i32
      %dma_wait3A_44 = tpu.memref_slice %arg9[%add3A_18, %dma_wait3A_43] : memref<10112x128xf32, #tpu.memory_space<vmem_shared>> -> memref<64x128xf32, #tpu.memory_space<vmem_shared>>
      %dma_wait3A_45 = arith.constant 0 : i32
      %dma_wait3A_46 = arith.constant 0 : i32
      %dma_wait3A_47 = tpu.memref_slice %arg7[%dma_wait3A_45, %dma_wait3A_46] : memref<64x128xf32, #tpu.memory_space<vmem>> -> memref<64x128xf32, #tpu.memory_space<vmem>>
      tpu.wait_dma2 semaphore(%run_scoped3A : memref<!tpu.dma_semaphore, #tpu.memory_space<semaphore_mem>>) src(%dma_wait3A_47 : memref<64x128xf32, #tpu.memory_space<vmem>>) dst(%dma_wait3A_44 : memref<64x128xf32, #tpu.memory_space<vmem_shared>>)
      tpu.yield
    }) : () -> ()
    %add3A_19 = arith.constant 512 : i32
    %add3A_20 = arith.addi %mul3A_2, %add3A_19 : i32
    "tpu.region"() ({
      %run_scoped3A = tpu.sem_alloc : memref<!tpu.dma_semaphore, #tpu.memory_space<semaphore_mem>>
      %dma_start3A = arith.constant 0 : i32
      %dma_start3A_30 = arith.constant 0 : i32
      %dma_start3A_31 = tpu.memref_slice %arg7[%dma_start3A, %dma_start3A_30] : memref<64x128xf32, #tpu.memory_space<vmem>> -> memref<64x128xf32, #tpu.memory_space<vmem>>
      %dma_start3A_32 = arith.constant 0 : i32
      %dma_start3A_33 = tpu.memref_slice %arg9[%add3A_20, %dma_start3A_32] : memref<10112x128xf32, #tpu.memory_space<vmem_shared>> -> memref<64x128xf32, #tpu.memory_space<vmem_shared>>
      %dma_start3A_34 = arith.constant 0 : i32
      %dma_start3A_35 = tpu.memref_slice %arg9[%add3A_20, %dma_start3A_34] : memref<10112x128xf32, #tpu.memory_space<vmem_shared>> -> memref<64x128xf32, #tpu.memory_space<vmem_shared>>
      %dma_start3A_36 = arith.constant 0 : i32
      %dma_start3A_37 = arith.constant 0 : i32
      %dma_start3A_38 = tpu.memref_slice %arg7[%dma_start3A_36, %dma_start3A_37] : memref<64x128xf32, #tpu.memory_space<vmem>> -> memref<64x128xf32, #tpu.memory_space<vmem>>
      tpu.enqueue_dma source(%dma_start3A_38 : memref<64x128xf32, #tpu.memory_space<vmem>>) target(%dma_start3A_35 : memref<64x128xf32, #tpu.memory_space<vmem_shared>>) target_semaphore(%run_scoped3A : memref<!tpu.dma_semaphore, #tpu.memory_space<semaphore_mem>>)
      %dma_wait3A = arith.constant 0 : i32
      %dma_wait3A_39 = arith.constant 0 : i32
      %dma_wait3A_40 = tpu.memref_slice %arg7[%dma_wait3A, %dma_wait3A_39] : memref<64x128xf32, #tpu.memory_space<vmem>> -> memref<64x128xf32, #tpu.memory_space<vmem>>
      %dma_wait3A_41 = arith.constant 0 : i32
      %dma_wait3A_42 = tpu.memref_slice %arg9[%add3A_20, %dma_wait3A_41] : memref<10112x128xf32, #tpu.memory_space<vmem_shared>> -> memref<64x128xf32, #tpu.memory_space<vmem_shared>>
      %dma_wait3A_43 = arith.constant 0 : i32
      %dma_wait3A_44 = tpu.memref_slice %arg9[%add3A_20, %dma_wait3A_43] : memref<10112x128xf32, #tpu.memory_space<vmem_shared>> -> memref<64x128xf32, #tpu.memory_space<vmem_shared>>
      %dma_wait3A_45 = arith.constant 0 : i32
      %dma_wait3A_46 = arith.constant 0 : i32
      %dma_wait3A_47 = tpu.memref_slice %arg7[%dma_wait3A_45, %dma_wait3A_46] : memref<64x128xf32, #tpu.memory_space<vmem>> -> memref<64x128xf32, #tpu.memory_space<vmem>>
      tpu.wait_dma2 semaphore(%run_scoped3A : memref<!tpu.dma_semaphore, #tpu.memory_space<semaphore_mem>>) src(%dma_wait3A_47 : memref<64x128xf32, #tpu.memory_space<vmem>>) dst(%dma_wait3A_44 : memref<64x128xf32, #tpu.memory_space<vmem_shared>>)
      tpu.yield
    }) : () -> ()
    %add3A_21 = arith.constant 576 : i32
    %add3A_22 = arith.addi %mul3A_2, %add3A_21 : i32
    "tpu.region"() ({
      %run_scoped3A = tpu.sem_alloc : memref<!tpu.dma_semaphore, #tpu.memory_space<semaphore_mem>>
      %dma_start3A = arith.constant 0 : i32
      %dma_start3A_30 = arith.constant 0 : i32
      %dma_start3A_31 = tpu.memref_slice %arg7[%dma_start3A, %dma_start3A_30] : memref<64x128xf32, #tpu.memory_space<vmem>> -> memref<56x128xf32, #tpu.memory_space<vmem>>
      %dma_start3A_32 = arith.constant 0 : i32
      %dma_start3A_33 = tpu.memref_slice %arg9[%add3A_22, %dma_start3A_32] : memref<10112x128xf32, #tpu.memory_space<vmem_shared>> -> memref<56x128xf32, #tpu.memory_space<vmem_shared>>
      %dma_start3A_34 = arith.constant 0 : i32
      %dma_start3A_35 = tpu.memref_slice %arg9[%add3A_22, %dma_start3A_34] : memref<10112x128xf32, #tpu.memory_space<vmem_shared>> -> memref<56x128xf32, #tpu.memory_space<vmem_shared>>
      %dma_start3A_36 = arith.constant 0 : i32
      %dma_start3A_37 = arith.constant 0 : i32
      %dma_start3A_38 = tpu.memref_slice %arg7[%dma_start3A_36, %dma_start3A_37] : memref<64x128xf32, #tpu.memory_space<vmem>> -> memref<56x128xf32, #tpu.memory_space<vmem>>
      tpu.enqueue_dma source(%dma_start3A_38 : memref<56x128xf32, #tpu.memory_space<vmem>>) target(%dma_start3A_35 : memref<56x128xf32, #tpu.memory_space<vmem_shared>>) target_semaphore(%run_scoped3A : memref<!tpu.dma_semaphore, #tpu.memory_space<semaphore_mem>>)
      %dma_wait3A = arith.constant 0 : i32
      %dma_wait3A_39 = arith.constant 0 : i32
      %dma_wait3A_40 = tpu.memref_slice %arg7[%dma_wait3A, %dma_wait3A_39] : memref<64x128xf32, #tpu.memory_space<vmem>> -> memref<56x128xf32, #tpu.memory_space<vmem>>
      %dma_wait3A_41 = arith.constant 0 : i32
      %dma_wait3A_42 = tpu.memref_slice %arg9[%add3A_22, %dma_wait3A_41] : memref<10112x128xf32, #tpu.memory_space<vmem_shared>> -> memref<56x128xf32, #tpu.memory_space<vmem_shared>>
      %dma_wait3A_43 = arith.constant 0 : i32
      %dma_wait3A_44 = tpu.memref_slice %arg9[%add3A_22, %dma_wait3A_43] : memref<10112x128xf32, #tpu.memory_space<vmem_shared>> -> memref<56x128xf32, #tpu.memory_space<vmem_shared>>
      %dma_wait3A_45 = arith.constant 0 : i32
      %dma_wait3A_46 = arith.constant 0 : i32
      %dma_wait3A_47 = tpu.memref_slice %arg7[%dma_wait3A_45, %dma_wait3A_46] : memref<64x128xf32, #tpu.memory_space<vmem>> -> memref<56x128xf32, #tpu.memory_space<vmem>>
      tpu.wait_dma2 semaphore(%run_scoped3A : memref<!tpu.dma_semaphore, #tpu.memory_space<semaphore_mem>>) src(%dma_wait3A_47 : memref<56x128xf32, #tpu.memory_space<vmem>>) dst(%dma_wait3A_44 : memref<56x128xf32, #tpu.memory_space<vmem_shared>>)
      tpu.yield
    }) : () -> ()
    %barrier3A = arith.constant 0 : index
    tpu.barrier barrier_id(%barrier3A)
    %scan3A = arith.constant 0 : i32
    %scan3A_23 = arith.constant 0 : i32
    %scan3A_24 = arith.constant 20 : i32
    %scan3A_25 = arith.addi %scan3A_23, %scan3A_24 : i32
    %scan3A_26 = arith.constant 1 : i32
    %scan3A_27 = scf.for %scan3A_30 = %scan3A_23 to %scan3A_25 step %scan3A_26 iter_args(%scan3A_31 = %scan3A) -> (i32)  : i32 {
      "tpu.region"() ({
        %run_scoped3A_150 = tpu.sem_alloc : memref<!tpu.dma_semaphore, #tpu.memory_space<semaphore_mem>>
        %dma_start3A_151 = arith.constant 0 : i32
        %dma_start3A_152 = arith.constant 0 : i32
        %dma_start3A_153 = tpu.memref_slice %arg3[%add3A, %scan3A_30, %dma_start3A_151, %dma_start3A_152] : memref<32x20x16x64xi32, #tpu.memory_space<hbm>> -> memref<1x1x16x64xi32, #tpu.memory_space<hbm>>
        %dma_start3A_154 = tpu.memref_squeeze %dma_start3A_153 : memref<1x1x16x64xi32, #tpu.memory_space<hbm>> -> memref<16x64xi32, #tpu.memory_space<hbm>>
        %dma_start3A_155 = arith.constant 0 : i32
        %dma_start3A_156 = arith.constant 0 : i32
        %dma_start3A_157 = tpu.memref_slice %arg3[%add3A, %scan3A_30, %dma_start3A_155, %dma_start3A_156] : memref<32x20x16x64xi32, #tpu.memory_space<hbm>> -> memref<1x1x16x64xi32, #tpu.memory_space<hbm>>
        %dma_start3A_158 = tpu.memref_squeeze %dma_start3A_157 : memref<1x1x16x64xi32, #tpu.memory_space<hbm>> -> memref<16x64xi32, #tpu.memory_space<hbm>>
        tpu.enqueue_dma source(%dma_start3A_158 : memref<16x64xi32, #tpu.memory_space<hbm>>) target(%arg6 : memref<16x64xi32, #tpu.memory_space<vmem>>) target_semaphore(%run_scoped3A_150 : memref<!tpu.dma_semaphore, #tpu.memory_space<semaphore_mem>>)
        %dma_wait3A_159 = arith.constant 0 : i32
        %dma_wait3A_160 = arith.constant 0 : i32
        %dma_wait3A_161 = tpu.memref_slice %arg3[%add3A, %scan3A_30, %dma_wait3A_159, %dma_wait3A_160] : memref<32x20x16x64xi32, #tpu.memory_space<hbm>> -> memref<1x1x16x64xi32, #tpu.memory_space<hbm>>
        %dma_wait3A_162 = tpu.memref_squeeze %dma_wait3A_161 : memref<1x1x16x64xi32, #tpu.memory_space<hbm>> -> memref<16x64xi32, #tpu.memory_space<hbm>>
        %dma_wait3A_163 = arith.constant 0 : i32
        %dma_wait3A_164 = arith.constant 0 : i32
        %dma_wait3A_165 = tpu.memref_slice %arg3[%add3A, %scan3A_30, %dma_wait3A_163, %dma_wait3A_164] : memref<32x20x16x64xi32, #tpu.memory_space<hbm>> -> memref<1x1x16x64xi32, #tpu.memory_space<hbm>>
        %dma_wait3A_166 = tpu.memref_squeeze %dma_wait3A_165 : memref<1x1x16x64xi32, #tpu.memory_space<hbm>> -> memref<16x64xi32, #tpu.memory_space<hbm>>
        tpu.wait_dma2 semaphore(%run_scoped3A_150 : memref<!tpu.dma_semaphore, #tpu.memory_space<semaphore_mem>>) src(%dma_wait3A_166 : memref<16x64xi32, #tpu.memory_space<hbm>>) dst(%arg6 : memref<16x64xi32, #tpu.memory_space<vmem>>)
        tpu.yield
      }) : () -> ()
      %dma_start3A = arith.constant 0 : i32
      %dma_start3A_32 = arith.constant 0 : i32
      %dma_start3A_33 = tpu.memref_slice %arg6[%dma_start3A, %dma_start3A_32] : memref<16x64xi32, #tpu.memory_space<vmem>> -> memref<1x64xi32, #tpu.memory_space<vmem>>
      %dma_start3A_34 = tpu.memref_squeeze %dma_start3A_33 : memref<1x64xi32, #tpu.memory_space<vmem>> -> memref<64xi32, #tpu.memory_space<vmem>>
      %dma_start3A_35 = arith.constant 0 : i32
      %dma_start3A_36 = arith.constant 0 : i32
      %dma_start3A_37 = tpu.memref_slice %arg2[%dma_start3A_35, %dma_start3A_36] : memref<10000x128xf32, #tpu.memory_space<hbm>> -> memref<10000x128xf32, #tpu.memory_space<hbm>>
      tpu.enqueue_indirect_dma source(%dma_start3A_37 : memref<10000x128xf32, #tpu.memory_space<hbm>>) target(%arg7 : memref<64x128xf32, #tpu.memory_space<vmem>>) offsets(%dma_start3A_34 : memref<64xi32, #tpu.memory_space<vmem>>) semaphore(%arg10 : memref<!tpu.dma_semaphore, #tpu.memory_space<semaphore_mem>>)
      %dma_wait3A = arith.constant 0 : i32
      %dma_wait3A_38 = arith.constant 0 : i32
      %dma_wait3A_39 = tpu.memref_slice %arg6[%dma_wait3A, %dma_wait3A_38] : memref<16x64xi32, #tpu.memory_space<vmem>> -> memref<1x64xi32, #tpu.memory_space<vmem>>
      %dma_wait3A_40 = tpu.memref_squeeze %dma_wait3A_39 : memref<1x64xi32, #tpu.memory_space<vmem>> -> memref<64xi32, #tpu.memory_space<vmem>>
      %dma_wait3A_41 = arith.constant 0 : i32
      %dma_wait3A_42 = arith.constant 0 : i32
      %dma_wait3A_43 = tpu.memref_slice %arg2[%dma_wait3A_41, %dma_wait3A_42] : memref<10000x128xf32, #tpu.memory_space<hbm>> -> memref<10000x128xf32, #tpu.memory_space<hbm>>
      tpu.wait_indirect_dma semaphore(%arg10 : memref<!tpu.dma_semaphore, #tpu.memory_space<semaphore_mem>>) src(%dma_wait3A_43 : memref<10000x128xf32, #tpu.memory_space<hbm>>) dst(%arg7 : memref<64x128xf32, #tpu.memory_space<vmem>>)
      %dma_start3A_44 = arith.constant 1 : i32
      %dma_start3A_45 = arith.constant 0 : i32
      %dma_start3A_46 = tpu.memref_slice %arg6[%dma_start3A_44, %dma_start3A_45] : memref<16x64xi32, #tpu.memory_space<vmem>> -> memref<1x64xi32, #tpu.memory_space<vmem>>
      %dma_start3A_47 = tpu.memref_squeeze %dma_start3A_46 : memref<1x64xi32, #tpu.memory_space<vmem>> -> memref<64xi32, #tpu.memory_space<vmem>>
      %dma_start3A_48 = arith.constant 0 : i32
      %dma_start3A_49 = arith.constant 0 : i32
      %dma_start3A_50 = tpu.memref_slice %arg2[%dma_start3A_48, %dma_start3A_49] : memref<10000x128xf32, #tpu.memory_space<hbm>> -> memref<10000x128xf32, #tpu.memory_space<hbm>>
      tpu.enqueue_indirect_dma source(%dma_start3A_50 : memref<10000x128xf32, #tpu.memory_space<hbm>>) target(%arg8 : memref<64x128xf32, #tpu.memory_space<vmem>>) offsets(%dma_start3A_47 : memref<64xi32, #tpu.memory_space<vmem>>) semaphore(%arg11 : memref<!tpu.dma_semaphore, #tpu.memory_space<semaphore_mem>>)
      %run_scoped3A = arith.constant 8 : i32
      "tpu.region"() ({
        %run_scoped3A_150 = tpu.sem_alloc : memref<!tpu.dma_semaphore, #tpu.memory_space<semaphore_mem>>
        %dma_start3A_151 = arith.constant 0 : i32
        %dma_start3A_152 = tpu.memref_slice %arg6[%run_scoped3A, %dma_start3A_151] : memref<16x64xi32, #tpu.memory_space<vmem>> -> memref<1x64xi32, #tpu.memory_space<vmem>>
        %dma_start3A_153 = tpu.memref_squeeze %dma_start3A_152 : memref<1x64xi32, #tpu.memory_space<vmem>> -> memref<64xi32, #tpu.memory_space<vmem>>
        %dma_start3A_154 = arith.constant 0 : i32
        %dma_start3A_155 = arith.constant 0 : i32
        %dma_start3A_156 = tpu.memref_slice %arg9[%dma_start3A_154, %dma_start3A_155] : memref<10112x128xf32, #tpu.memory_space<vmem_shared>> -> memref<10112x128xf32, #tpu.memory_space<vmem_shared>>
        tpu.enqueue_indirect_dma source(%arg7 : memref<64x128xf32, #tpu.memory_space<vmem>>) target(%dma_start3A_156 : memref<10112x128xf32, #tpu.memory_space<vmem_shared>>) offsets(%dma_start3A_153 : memref<64xi32, #tpu.memory_space<vmem>>) semaphore(%run_scoped3A_150 : memref<!tpu.dma_semaphore, #tpu.memory_space<semaphore_mem>>) {add = true}
        %dma_wait3A_157 = arith.constant 0 : i32
        %dma_wait3A_158 = tpu.memref_slice %arg6[%run_scoped3A, %dma_wait3A_157] : memref<16x64xi32, #tpu.memory_space<vmem>> -> memref<1x64xi32, #tpu.memory_space<vmem>>
        %dma_wait3A_159 = tpu.memref_squeeze %dma_wait3A_158 : memref<1x64xi32, #tpu.memory_space<vmem>> -> memref<64xi32, #tpu.memory_space<vmem>>
        %dma_wait3A_160 = arith.constant 0 : i32
        %dma_wait3A_161 = arith.constant 0 : i32
        %dma_wait3A_162 = tpu.memref_slice %arg9[%dma_wait3A_160, %dma_wait3A_161] : memref<10112x128xf32, #tpu.memory_space<vmem_shared>> -> memref<10112x128xf32, #tpu.memory_space<vmem_shared>>
        tpu.wait_indirect_dma semaphore(%run_scoped3A_150 : memref<!tpu.dma_semaphore, #tpu.memory_space<semaphore_mem>>) src(%arg7 : memref<64x128xf32, #tpu.memory_space<vmem>>) dst(%dma_wait3A_162 : memref<10112x128xf32, #tpu.memory_space<vmem_shared>>)
        tpu.yield
      }) : () -> ()
      %dma_wait3A_51 = arith.constant 1 : i32
      %dma_wait3A_52 = arith.constant 0 : i32
      %dma_wait3A_53 = tpu.memref_slice %arg6[%dma_wait3A_51, %dma_wait3A_52] : memref<16x64xi32, #tpu.memory_space<vmem>> -> memref<1x64xi32, #tpu.memory_space<vmem>>
      %dma_wait3A_54 = tpu.memref_squeeze %dma_wait3A_53 : memref<1x64xi32, #tpu.memory_space<vmem>> -> memref<64xi32, #tpu.memory_space<vmem>>
      %dma_wait3A_55 = arith.constant 0 : i32
      %dma_wait3A_56 = arith.constant 0 : i32
      %dma_wait3A_57 = tpu.memref_slice %arg2[%dma_wait3A_55, %dma_wait3A_56] : memref<10000x128xf32, #tpu.memory_space<hbm>> -> memref<10000x128xf32, #tpu.memory_space<hbm>>
      tpu.wait_indirect_dma semaphore(%arg11 : memref<!tpu.dma_semaphore, #tpu.memory_space<semaphore_mem>>) src(%dma_wait3A_57 : memref<10000x128xf32, #tpu.memory_space<hbm>>) dst(%arg8 : memref<64x128xf32, #tpu.memory_space<vmem>>)
      %dma_start3A_58 = arith.constant 2 : i32
      %dma_start3A_59 = arith.constant 0 : i32
      %dma_start3A_60 = tpu.memref_slice %arg6[%dma_start3A_58, %dma_start3A_59] : memref<16x64xi32, #tpu.memory_space<vmem>> -> memref<1x64xi32, #tpu.memory_space<vmem>>
      %dma_start3A_61 = tpu.memref_squeeze %dma_start3A_60 : memref<1x64xi32, #tpu.memory_space<vmem>> -> memref<64xi32, #tpu.memory_space<vmem>>
      %dma_start3A_62 = arith.constant 0 : i32
      %dma_start3A_63 = arith.constant 0 : i32
      %dma_start3A_64 = tpu.memref_slice %arg2[%dma_start3A_62, %dma_start3A_63] : memref<10000x128xf32, #tpu.memory_space<hbm>> -> memref<10000x128xf32, #tpu.memory_space<hbm>>
      tpu.enqueue_indirect_dma source(%dma_start3A_64 : memref<10000x128xf32, #tpu.memory_space<hbm>>) target(%arg7 : memref<64x128xf32, #tpu.memory_space<vmem>>) offsets(%dma_start3A_61 : memref<64xi32, #tpu.memory_space<vmem>>) semaphore(%arg10 : memref<!tpu.dma_semaphore, #tpu.memory_space<semaphore_mem>>)
      %run_scoped3A_65 = arith.constant 9 : i32
      "tpu.region"() ({
        %run_scoped3A_150 = tpu.sem_alloc : memref<!tpu.dma_semaphore, #tpu.memory_space<semaphore_mem>>
        %dma_start3A_151 = arith.constant 0 : i32
        %dma_start3A_152 = tpu.memref_slice %arg6[%run_scoped3A_65, %dma_start3A_151] : memref<16x64xi32, #tpu.memory_space<vmem>> -> memref<1x64xi32, #tpu.memory_space<vmem>>
        %dma_start3A_153 = tpu.memref_squeeze %dma_start3A_152 : memref<1x64xi32, #tpu.memory_space<vmem>> -> memref<64xi32, #tpu.memory_space<vmem>>
        %dma_start3A_154 = arith.constant 0 : i32
        %dma_start3A_155 = arith.constant 0 : i32
        %dma_start3A_156 = tpu.memref_slice %arg9[%dma_start3A_154, %dma_start3A_155] : memref<10112x128xf32, #tpu.memory_space<vmem_shared>> -> memref<10112x128xf32, #tpu.memory_space<vmem_shared>>
        tpu.enqueue_indirect_dma source(%arg8 : memref<64x128xf32, #tpu.memory_space<vmem>>) target(%dma_start3A_156 : memref<10112x128xf32, #tpu.memory_space<vmem_shared>>) offsets(%dma_start3A_153 : memref<64xi32, #tpu.memory_space<vmem>>) semaphore(%run_scoped3A_150 : memref<!tpu.dma_semaphore, #tpu.memory_space<semaphore_mem>>) {add = true}
        %dma_wait3A_157 = arith.constant 0 : i32
        %dma_wait3A_158 = tpu.memref_slice %arg6[%run_scoped3A_65, %dma_wait3A_157] : memref<16x64xi32, #tpu.memory_space<vmem>> -> memref<1x64xi32, #tpu.memory_space<vmem>>
        %dma_wait3A_159 = tpu.memref_squeeze %dma_wait3A_158 : memref<1x64xi32, #tpu.memory_space<vmem>> -> memref<64xi32, #tpu.memory_space<vmem>>
        %dma_wait3A_160 = arith.constant 0 : i32
        %dma_wait3A_161 = arith.constant 0 : i32
        %dma_wait3A_162 = tpu.memref_slice %arg9[%dma_wait3A_160, %dma_wait3A_161] : memref<10112x128xf32, #tpu.memory_space<vmem_shared>> -> memref<10112x128xf32, #tpu.memory_space<vmem_shared>>
        tpu.wait_indirect_dma semaphore(%run_scoped3A_150 : memref<!tpu.dma_semaphore, #tpu.memory_space<semaphore_mem>>) src(%arg8 : memref<64x128xf32, #tpu.memory_space<vmem>>) dst(%dma_wait3A_162 : memref<10112x128xf32, #tpu.memory_space<vmem_shared>>)
        tpu.yield
      }) : () -> ()
      %dma_wait3A_66 = arith.constant 2 : i32
      %dma_wait3A_67 = arith.constant 0 : i32
      %dma_wait3A_68 = tpu.memref_slice %arg6[%dma_wait3A_66, %dma_wait3A_67] : memref<16x64xi32, #tpu.memory_space<vmem>> -> memref<1x64xi32, #tpu.memory_space<vmem>>
      %dma_wait3A_69 = tpu.memref_squeeze %dma_wait3A_68 : memref<1x64xi32, #tpu.memory_space<vmem>> -> memref<64xi32, #tpu.memory_space<vmem>>
      %dma_wait3A_70 = arith.constant 0 : i32
      %dma_wait3A_71 = arith.constant 0 : i32
      %dma_wait3A_72 = tpu.memref_slice %arg2[%dma_wait3A_70, %dma_wait3A_71] : memref<10000x128xf32, #tpu.memory_space<hbm>> -> memref<10000x128xf32, #tpu.memory_space<hbm>>
      tpu.wait_indirect_dma semaphore(%arg10 : memref<!tpu.dma_semaphore, #tpu.memory_space<semaphore_mem>>) src(%dma_wait3A_72 : memref<10000x128xf32, #tpu.memory_space<hbm>>) dst(%arg7 : memref<64x128xf32, #tpu.memory_space<vmem>>)
      %dma_start3A_73 = arith.constant 3 : i32
      %dma_start3A_74 = arith.constant 0 : i32
      %dma_start3A_75 = tpu.memref_slice %arg6[%dma_start3A_73, %dma_start3A_74] : memref<16x64xi32, #tpu.memory_space<vmem>> -> memref<1x64xi32, #tpu.memory_space<vmem>>
      %dma_start3A_76 = tpu.memref_squeeze %dma_start3A_75 : memref<1x64xi32, #tpu.memory_space<vmem>> -> memref<64xi32, #tpu.memory_space<vmem>>
      %dma_start3A_77 = arith.constant 0 : i32
      %dma_start3A_78 = arith.constant 0 : i32
      %dma_start3A_79 = tpu.memref_slice %arg2[%dma_start3A_77, %dma_start3A_78] : memref<10000x128xf32, #tpu.memory_space<hbm>> -> memref<10000x128xf32, #tpu.memory_space<hbm>>
      tpu.enqueue_indirect_dma source(%dma_start3A_79 : memref<10000x128xf32, #tpu.memory_space<hbm>>) target(%arg8 : memref<64x128xf32, #tpu.memory_space<vmem>>) offsets(%dma_start3A_76 : memref<64xi32, #tpu.memory_space<vmem>>) semaphore(%arg11 : memref<!tpu.dma_semaphore, #tpu.memory_space<semaphore_mem>>)
      %run_scoped3A_80 = arith.constant 10 : i32
      "tpu.region"() ({
        %run_scoped3A_150 = tpu.sem_alloc : memref<!tpu.dma_semaphore, #tpu.memory_space<semaphore_mem>>
        %dma_start3A_151 = arith.constant 0 : i32
        %dma_start3A_152 = tpu.memref_slice %arg6[%run_scoped3A_80, %dma_start3A_151] : memref<16x64xi32, #tpu.memory_space<vmem>> -> memref<1x64xi32, #tpu.memory_space<vmem>>
        %dma_start3A_153 = tpu.memref_squeeze %dma_start3A_152 : memref<1x64xi32, #tpu.memory_space<vmem>> -> memref<64xi32, #tpu.memory_space<vmem>>
        %dma_start3A_154 = arith.constant 0 : i32
        %dma_start3A_155 = arith.constant 0 : i32
        %dma_start3A_156 = tpu.memref_slice %arg9[%dma_start3A_154, %dma_start3A_155] : memref<10112x128xf32, #tpu.memory_space<vmem_shared>> -> memref<10112x128xf32, #tpu.memory_space<vmem_shared>>
        tpu.enqueue_indirect_dma source(%arg7 : memref<64x128xf32, #tpu.memory_space<vmem>>) target(%dma_start3A_156 : memref<10112x128xf32, #tpu.memory_space<vmem_shared>>) offsets(%dma_start3A_153 : memref<64xi32, #tpu.memory_space<vmem>>) semaphore(%run_scoped3A_150 : memref<!tpu.dma_semaphore, #tpu.memory_space<semaphore_mem>>) {add = true}
        %dma_wait3A_157 = arith.constant 0 : i32
        %dma_wait3A_158 = tpu.memref_slice %arg6[%run_scoped3A_80, %dma_wait3A_157] : memref<16x64xi32, #tpu.memory_space<vmem>> -> memref<1x64xi32, #tpu.memory_space<vmem>>
        %dma_wait3A_159 = tpu.memref_squeeze %dma_wait3A_158 : memref<1x64xi32, #tpu.memory_space<vmem>> -> memref<64xi32, #tpu.memory_space<vmem>>
        %dma_wait3A_160 = arith.constant 0 : i32
        %dma_wait3A_161 = arith.constant 0 : i32
        %dma_wait3A_162 = tpu.memref_slice %arg9[%dma_wait3A_160, %dma_wait3A_161] : memref<10112x128xf32, #tpu.memory_space<vmem_shared>> -> memref<10112x128xf32, #tpu.memory_space<vmem_shared>>
        tpu.wait_indirect_dma semaphore(%run_scoped3A_150 : memref<!tpu.dma_semaphore, #tpu.memory_space<semaphore_mem>>) src(%arg7 : memref<64x128xf32, #tpu.memory_space<vmem>>) dst(%dma_wait3A_162 : memref<10112x128xf32, #tpu.memory_space<vmem_shared>>)
        tpu.yield
      }) : () -> ()
      %dma_wait3A_81 = arith.constant 3 : i32
      %dma_wait3A_82 = arith.constant 0 : i32
      %dma_wait3A_83 = tpu.memref_slice %arg6[%dma_wait3A_81, %dma_wait3A_82] : memref<16x64xi32, #tpu.memory_space<vmem>> -> memref<1x64xi32, #tpu.memory_space<vmem>>
      %dma_wait3A_84 = tpu.memref_squeeze %dma_wait3A_83 : memref<1x64xi32, #tpu.memory_space<vmem>> -> memref<64xi32, #tpu.memory_space<vmem>>
      %dma_wait3A_85 = arith.constant 0 : i32
      %dma_wait3A_86 = arith.constant 0 : i32
      %dma_wait3A_87 = tpu.memref_slice %arg2[%dma_wait3A_85, %dma_wait3A_86] : memref<10000x128xf32, #tpu.memory_space<hbm>> -> memref<10000x128xf32, #tpu.memory_space<hbm>>
      tpu.wait_indirect_dma semaphore(%arg11 : memref<!tpu.dma_semaphore, #tpu.memory_space<semaphore_mem>>) src(%dma_wait3A_87 : memref<10000x128xf32, #tpu.memory_space<hbm>>) dst(%arg8 : memref<64x128xf32, #tpu.memory_space<vmem>>)
      %dma_start3A_88 = arith.constant 4 : i32
      %dma_start3A_89 = arith.constant 0 : i32
      %dma_start3A_90 = tpu.memref_slice %arg6[%dma_start3A_88, %dma_start3A_89] : memref<16x64xi32, #tpu.memory_space<vmem>> -> memref<1x64xi32, #tpu.memory_space<vmem>>
      %dma_start3A_91 = tpu.memref_squeeze %dma_start3A_90 : memref<1x64xi32, #tpu.memory_space<vmem>> -> memref<64xi32, #tpu.memory_space<vmem>>
      %dma_start3A_92 = arith.constant 0 : i32
      %dma_start3A_93 = arith.constant 0 : i32
      %dma_start3A_94 = tpu.memref_slice %arg2[%dma_start3A_92, %dma_start3A_93] : memref<10000x128xf32, #tpu.memory_space<hbm>> -> memref<10000x128xf32, #tpu.memory_space<hbm>>
      tpu.enqueue_indirect_dma source(%dma_start3A_94 : memref<10000x128xf32, #tpu.memory_space<hbm>>) target(%arg7 : memref<64x128xf32, #tpu.memory_space<vmem>>) offsets(%dma_start3A_91 : memref<64xi32, #tpu.memory_space<vmem>>) semaphore(%arg10 : memref<!tpu.dma_semaphore, #tpu.memory_space<semaphore_mem>>)
      %run_scoped3A_95 = arith.constant 11 : i32
      "tpu.region"() ({
        %run_scoped3A_150 = tpu.sem_alloc : memref<!tpu.dma_semaphore, #tpu.memory_space<semaphore_mem>>
        %dma_start3A_151 = arith.constant 0 : i32
        %dma_start3A_152 = tpu.memref_slice %arg6[%run_scoped3A_95, %dma_start3A_151] : memref<16x64xi32, #tpu.memory_space<vmem>> -> memref<1x64xi32, #tpu.memory_space<vmem>>
        %dma_start3A_153 = tpu.memref_squeeze %dma_start3A_152 : memref<1x64xi32, #tpu.memory_space<vmem>> -> memref<64xi32, #tpu.memory_space<vmem>>
        %dma_start3A_154 = arith.constant 0 : i32
        %dma_start3A_155 = arith.constant 0 : i32
        %dma_start3A_156 = tpu.memref_slice %arg9[%dma_start3A_154, %dma_start3A_155] : memref<10112x128xf32, #tpu.memory_space<vmem_shared>> -> memref<10112x128xf32, #tpu.memory_space<vmem_shared>>
        tpu.enqueue_indirect_dma source(%arg8 : memref<64x128xf32, #tpu.memory_space<vmem>>) target(%dma_start3A_156 : memref<10112x128xf32, #tpu.memory_space<vmem_shared>>) offsets(%dma_start3A_153 : memref<64xi32, #tpu.memory_space<vmem>>) semaphore(%run_scoped3A_150 : memref<!tpu.dma_semaphore, #tpu.memory_space<semaphore_mem>>) {add = true}
        %dma_wait3A_157 = arith.constant 0 : i32
        %dma_wait3A_158 = tpu.memref_slice %arg6[%run_scoped3A_95, %dma_wait3A_157] : memref<16x64xi32, #tpu.memory_space<vmem>> -> memref<1x64xi32, #tpu.memory_space<vmem>>
        %dma_wait3A_159 = tpu.memref_squeeze %dma_wait3A_158 : memref<1x64xi32, #tpu.memory_space<vmem>> -> memref<64xi32, #tpu.memory_space<vmem>>
        %dma_wait3A_160 = arith.constant 0 : i32
        %dma_wait3A_161 = arith.constant 0 : i32
        %dma_wait3A_162 = tpu.memref_slice %arg9[%dma_wait3A_160, %dma_wait3A_161] : memref<10112x128xf32, #tpu.memory_space<vmem_shared>> -> memref<10112x128xf32, #tpu.memory_space<vmem_shared>>
        tpu.wait_indirect_dma semaphore(%run_scoped3A_150 : memref<!tpu.dma_semaphore, #tpu.memory_space<semaphore_mem>>) src(%arg8 : memref<64x128xf32, #tpu.memory_space<vmem>>) dst(%dma_wait3A_162 : memref<10112x128xf32, #tpu.memory_space<vmem_shared>>)
        tpu.yield
      }) : () -> ()
      %dma_wait3A_96 = arith.constant 4 : i32
      %dma_wait3A_97 = arith.constant 0 : i32
      %dma_wait3A_98 = tpu.memref_slice %arg6[%dma_wait3A_96, %dma_wait3A_97] : memref<16x64xi32, #tpu.memory_space<vmem>> -> memref<1x64xi32, #tpu.memory_space<vmem>>
      %dma_wait3A_99 = tpu.memref_squeeze %dma_wait3A_98 : memref<1x64xi32, #tpu.memory_space<vmem>> -> memref<64xi32, #tpu.memory_space<vmem>>
      %dma_wait3A_100 = arith.constant 0 : i32
      %dma_wait3A_101 = arith.constant 0 : i32
      %dma_wait3A_102 = tpu.memref_slice %arg2[%dma_wait3A_100, %dma_wait3A_101] : memref<10000x128xf32, #tpu.memory_space<hbm>> -> memref<10000x128xf32, #tpu.memory_space<hbm>>
      tpu.wait_indirect_dma semaphore(%arg10 : memref<!tpu.dma_semaphore, #tpu.memory_space<semaphore_mem>>) src(%dma_wait3A_102 : memref<10000x128xf32, #tpu.memory_space<hbm>>) dst(%arg7 : memref<64x128xf32, #tpu.memory_space<vmem>>)
      %dma_start3A_103 = arith.constant 5 : i32
      %dma_start3A_104 = arith.constant 0 : i32
      %dma_start3A_105 = tpu.memref_slice %arg6[%dma_start3A_103, %dma_start3A_104] : memref<16x64xi32, #tpu.memory_space<vmem>> -> memref<1x64xi32, #tpu.memory_space<vmem>>
      %dma_start3A_106 = tpu.memref_squeeze %dma_start3A_105 : memref<1x64xi32, #tpu.memory_space<vmem>> -> memref<64xi32, #tpu.memory_space<vmem>>
      %dma_start3A_107 = arith.constant 0 : i32
      %dma_start3A_108 = arith.constant 0 : i32
      %dma_start3A_109 = tpu.memref_slice %arg2[%dma_start3A_107, %dma_start3A_108] : memref<10000x128xf32, #tpu.memory_space<hbm>> -> memref<10000x128xf32, #tpu.memory_space<hbm>>
      tpu.enqueue_indirect_dma source(%dma_start3A_109 : memref<10000x128xf32, #tpu.memory_space<hbm>>) target(%arg8 : memref<64x128xf32, #tpu.memory_space<vmem>>) offsets(%dma_start3A_106 : memref<64xi32, #tpu.memory_space<vmem>>) semaphore(%arg11 : memref<!tpu.dma_semaphore, #tpu.memory_space<semaphore_mem>>)
      %run_scoped3A_110 = arith.constant 12 : i32
      "tpu.region"() ({
        %run_scoped3A_150 = tpu.sem_alloc : memref<!tpu.dma_semaphore, #tpu.memory_space<semaphore_mem>>
        %dma_start3A_151 = arith.constant 0 : i32
        %dma_start3A_152 = tpu.memref_slice %arg6[%run_scoped3A_110, %dma_start3A_151] : memref<16x64xi32, #tpu.memory_space<vmem>> -> memref<1x64xi32, #tpu.memory_space<vmem>>
        %dma_start3A_153 = tpu.memref_squeeze %dma_start3A_152 : memref<1x64xi32, #tpu.memory_space<vmem>> -> memref<64xi32, #tpu.memory_space<vmem>>
        %dma_start3A_154 = arith.constant 0 : i32
        %dma_start3A_155 = arith.constant 0 : i32
        %dma_start3A_156 = tpu.memref_slice %arg9[%dma_start3A_154, %dma_start3A_155] : memref<10112x128xf32, #tpu.memory_space<vmem_shared>> -> memref<10112x128xf32, #tpu.memory_space<vmem_shared>>
        tpu.enqueue_indirect_dma source(%arg7 : memref<64x128xf32, #tpu.memory_space<vmem>>) target(%dma_start3A_156 : memref<10112x128xf32, #tpu.memory_space<vmem_shared>>) offsets(%dma_start3A_153 : memref<64xi32, #tpu.memory_space<vmem>>) semaphore(%run_scoped3A_150 : memref<!tpu.dma_semaphore, #tpu.memory_space<semaphore_mem>>) {add = true}
        %dma_wait3A_157 = arith.constant 0 : i32
        %dma_wait3A_158 = tpu.memref_slice %arg6[%run_scoped3A_110, %dma_wait3A_157] : memref<16x64xi32, #tpu.memory_space<vmem>> -> memref<1x64xi32, #tpu.memory_space<vmem>>
        %dma_wait3A_159 = tpu.memref_squeeze %dma_wait3A_158 : memref<1x64xi32, #tpu.memory_space<vmem>> -> memref<64xi32, #tpu.memory_space<vmem>>
        %dma_wait3A_160 = arith.constant 0 : i32
        %dma_wait3A_161 = arith.constant 0 : i32
        %dma_wait3A_162 = tpu.memref_slice %arg9[%dma_wait3A_160, %dma_wait3A_161] : memref<10112x128xf32, #tpu.memory_space<vmem_shared>> -> memref<10112x128xf32, #tpu.memory_space<vmem_shared>>
        tpu.wait_indirect_dma semaphore(%run_scoped3A_150 : memref<!tpu.dma_semaphore, #tpu.memory_space<semaphore_mem>>) src(%arg7 : memref<64x128xf32, #tpu.memory_space<vmem>>) dst(%dma_wait3A_162 : memref<10112x128xf32, #tpu.memory_space<vmem_shared>>)
        tpu.yield
      }) : () -> ()
      %dma_wait3A_111 = arith.constant 5 : i32
      %dma_wait3A_112 = arith.constant 0 : i32
      %dma_wait3A_113 = tpu.memref_slice %arg6[%dma_wait3A_111, %dma_wait3A_112] : memref<16x64xi32, #tpu.memory_space<vmem>> -> memref<1x64xi32, #tpu.memory_space<vmem>>
      %dma_wait3A_114 = tpu.memref_squeeze %dma_wait3A_113 : memref<1x64xi32, #tpu.memory_space<vmem>> -> memref<64xi32, #tpu.memory_space<vmem>>
      %dma_wait3A_115 = arith.constant 0 : i32
      %dma_wait3A_116 = arith.constant 0 : i32
      %dma_wait3A_117 = tpu.memref_slice %arg2[%dma_wait3A_115, %dma_wait3A_116] : memref<10000x128xf32, #tpu.memory_space<hbm>> -> memref<10000x128xf32, #tpu.memory_space<hbm>>
      tpu.wait_indirect_dma semaphore(%arg11 : memref<!tpu.dma_semaphore, #tpu.memory_space<semaphore_mem>>) src(%dma_wait3A_117 : memref<10000x128xf32, #tpu.memory_space<hbm>>) dst(%arg8 : memref<64x128xf32, #tpu.memory_space<vmem>>)
      %dma_start3A_118 = arith.constant 6 : i32
      %dma_start3A_119 = arith.constant 0 : i32
      %dma_start3A_120 = tpu.memref_slice %arg6[%dma_start3A_118, %dma_start3A_119] : memref<16x64xi32, #tpu.memory_space<vmem>> -> memref<1x64xi32, #tpu.memory_space<vmem>>
      %dma_start3A_121 = tpu.memref_squeeze %dma_start3A_120 : memref<1x64xi32, #tpu.memory_space<vmem>> -> memref<64xi32, #tpu.memory_space<vmem>>
      %dma_start3A_122 = arith.constant 0 : i32
      %dma_start3A_123 = arith.constant 0 : i32
      %dma_start3A_124 = tpu.memref_slice %arg2[%dma_start3A_122, %dma_start3A_123] : memref<10000x128xf32, #tpu.memory_space<hbm>> -> memref<10000x128xf32, #tpu.memory_space<hbm>>
      tpu.enqueue_indirect_dma source(%dma_start3A_124 : memref<10000x128xf32, #tpu.memory_space<hbm>>) target(%arg7 : memref<64x128xf32, #tpu.memory_space<vmem>>) offsets(%dma_start3A_121 : memref<64xi32, #tpu.memory_space<vmem>>) semaphore(%arg10 : memref<!tpu.dma_semaphore, #tpu.memory_space<semaphore_mem>>)
      %run_scoped3A_125 = arith.constant 13 : i32
      "tpu.region"() ({
        %run_scoped3A_150 = tpu.sem_alloc : memref<!tpu.dma_semaphore, #tpu.memory_space<semaphore_mem>>
        %dma_start3A_151 = arith.constant 0 : i32
        %dma_start3A_152 = tpu.memref_slice %arg6[%run_scoped3A_125, %dma_start3A_151] : memref<16x64xi32, #tpu.memory_space<vmem>> -> memref<1x64xi32, #tpu.memory_space<vmem>>
        %dma_start3A_153 = tpu.memref_squeeze %dma_start3A_152 : memref<1x64xi32, #tpu.memory_space<vmem>> -> memref<64xi32, #tpu.memory_space<vmem>>
        %dma_start3A_154 = arith.constant 0 : i32
        %dma_start3A_155 = arith.constant 0 : i32
        %dma_start3A_156 = tpu.memref_slice %arg9[%dma_start3A_154, %dma_start3A_155] : memref<10112x128xf32, #tpu.memory_space<vmem_shared>> -> memref<10112x128xf32, #tpu.memory_space<vmem_shared>>
        tpu.enqueue_indirect_dma source(%arg8 : memref<64x128xf32, #tpu.memory_space<vmem>>) target(%dma_start3A_156 : memref<10112x128xf32, #tpu.memory_space<vmem_shared>>) offsets(%dma_start3A_153 : memref<64xi32, #tpu.memory_space<vmem>>) semaphore(%run_scoped3A_150 : memref<!tpu.dma_semaphore, #tpu.memory_space<semaphore_mem>>) {add = true}
        %dma_wait3A_157 = arith.constant 0 : i32
        %dma_wait3A_158 = tpu.memref_slice %arg6[%run_scoped3A_125, %dma_wait3A_157] : memref<16x64xi32, #tpu.memory_space<vmem>> -> memref<1x64xi32, #tpu.memory_space<vmem>>
        %dma_wait3A_159 = tpu.memref_squeeze %dma_wait3A_158 : memref<1x64xi32, #tpu.memory_space<vmem>> -> memref<64xi32, #tpu.memory_space<vmem>>
        %dma_wait3A_160 = arith.constant 0 : i32
        %dma_wait3A_161 = arith.constant 0 : i32
        %dma_wait3A_162 = tpu.memref_slice %arg9[%dma_wait3A_160, %dma_wait3A_161] : memref<10112x128xf32, #tpu.memory_space<vmem_shared>> -> memref<10112x128xf32, #tpu.memory_space<vmem_shared>>
        tpu.wait_indirect_dma semaphore(%run_scoped3A_150 : memref<!tpu.dma_semaphore, #tpu.memory_space<semaphore_mem>>) src(%arg8 : memref<64x128xf32, #tpu.memory_space<vmem>>) dst(%dma_wait3A_162 : memref<10112x128xf32, #tpu.memory_space<vmem_shared>>)
        tpu.yield
      }) : () -> ()
      %dma_wait3A_126 = arith.constant 6 : i32
      %dma_wait3A_127 = arith.constant 0 : i32
      %dma_wait3A_128 = tpu.memref_slice %arg6[%dma_wait3A_126, %dma_wait3A_127] : memref<16x64xi32, #tpu.memory_space<vmem>> -> memref<1x64xi32, #tpu.memory_space<vmem>>
      %dma_wait3A_129 = tpu.memref_squeeze %dma_wait3A_128 : memref<1x64xi32, #tpu.memory_space<vmem>> -> memref<64xi32, #tpu.memory_space<vmem>>
      %dma_wait3A_130 = arith.constant 0 : i32
      %dma_wait3A_131 = arith.constant 0 : i32
      %dma_wait3A_132 = tpu.memref_slice %arg2[%dma_wait3A_130, %dma_wait3A_131] : memref<10000x128xf32, #tpu.memory_space<hbm>> -> memref<10000x128xf32, #tpu.memory_space<hbm>>
      tpu.wait_indirect_dma semaphore(%arg10 : memref<!tpu.dma_semaphore, #tpu.memory_space<semaphore_mem>>) src(%dma_wait3A_132 : memref<10000x128xf32, #tpu.memory_space<hbm>>) dst(%arg7 : memref<64x128xf32, #tpu.memory_space<vmem>>)
      %dma_start3A_133 = arith.constant 7 : i32
      %dma_start3A_134 = arith.constant 0 : i32
      %dma_start3A_135 = tpu.memref_slice %arg6[%dma_start3A_133, %dma_start3A_134] : memref<16x64xi32, #tpu.memory_space<vmem>> -> memref<1x64xi32, #tpu.memory_space<vmem>>
      %dma_start3A_136 = tpu.memref_squeeze %dma_start3A_135 : memref<1x64xi32, #tpu.memory_space<vmem>> -> memref<64xi32, #tpu.memory_space<vmem>>
      %dma_start3A_137 = arith.constant 0 : i32
      %dma_start3A_138 = arith.constant 0 : i32
      %dma_start3A_139 = tpu.memref_slice %arg2[%dma_start3A_137, %dma_start3A_138] : memref<10000x128xf32, #tpu.memory_space<hbm>> -> memref<10000x128xf32, #tpu.memory_space<hbm>>
      tpu.enqueue_indirect_dma source(%dma_start3A_139 : memref<10000x128xf32, #tpu.memory_space<hbm>>) target(%arg8 : memref<64x128xf32, #tpu.memory_space<vmem>>) offsets(%dma_start3A_136 : memref<64xi32, #tpu.memory_space<vmem>>) semaphore(%arg11 : memref<!tpu.dma_semaphore, #tpu.memory_space<semaphore_mem>>)
      %run_scoped3A_140 = arith.constant 14 : i32
      "tpu.region"() ({
        %run_scoped3A_150 = tpu.sem_alloc : memref<!tpu.dma_semaphore, #tpu.memory_space<semaphore_mem>>
        %dma_start3A_151 = arith.constant 0 : i32
        %dma_start3A_152 = tpu.memref_slice %arg6[%run_scoped3A_140, %dma_start3A_151] : memref<16x64xi32, #tpu.memory_space<vmem>> -> memref<1x64xi32, #tpu.memory_space<vmem>>
        %dma_start3A_153 = tpu.memref_squeeze %dma_start3A_152 : memref<1x64xi32, #tpu.memory_space<vmem>> -> memref<64xi32, #tpu.memory_space<vmem>>
        %dma_start3A_154 = arith.constant 0 : i32
        %dma_start3A_155 = arith.constant 0 : i32
        %dma_start3A_156 = tpu.memref_slice %arg9[%dma_start3A_154, %dma_start3A_155] : memref<10112x128xf32, #tpu.memory_space<vmem_shared>> -> memref<10112x128xf32, #tpu.memory_space<vmem_shared>>
        tpu.enqueue_indirect_dma source(%arg7 : memref<64x128xf32, #tpu.memory_space<vmem>>) target(%dma_start3A_156 : memref<10112x128xf32, #tpu.memory_space<vmem_shared>>) offsets(%dma_start3A_153 : memref<64xi32, #tpu.memory_space<vmem>>) semaphore(%run_scoped3A_150 : memref<!tpu.dma_semaphore, #tpu.memory_space<semaphore_mem>>) {add = true}
        %dma_wait3A_157 = arith.constant 0 : i32
        %dma_wait3A_158 = tpu.memref_slice %arg6[%run_scoped3A_140, %dma_wait3A_157] : memref<16x64xi32, #tpu.memory_space<vmem>> -> memref<1x64xi32, #tpu.memory_space<vmem>>
        %dma_wait3A_159 = tpu.memref_squeeze %dma_wait3A_158 : memref<1x64xi32, #tpu.memory_space<vmem>> -> memref<64xi32, #tpu.memory_space<vmem>>
        %dma_wait3A_160 = arith.constant 0 : i32
        %dma_wait3A_161 = arith.constant 0 : i32
        %dma_wait3A_162 = tpu.memref_slice %arg9[%dma_wait3A_160, %dma_wait3A_161] : memref<10112x128xf32, #tpu.memory_space<vmem_shared>> -> memref<10112x128xf32, #tpu.memory_space<vmem_shared>>
        tpu.wait_indirect_dma semaphore(%run_scoped3A_150 : memref<!tpu.dma_semaphore, #tpu.memory_space<semaphore_mem>>) src(%arg7 : memref<64x128xf32, #tpu.memory_space<vmem>>) dst(%dma_wait3A_162 : memref<10112x128xf32, #tpu.memory_space<vmem_shared>>)
        tpu.yield
      }) : () -> ()
      %dma_wait3A_141 = arith.constant 7 : i32
      %dma_wait3A_142 = arith.constant 0 : i32
      %dma_wait3A_143 = tpu.memref_slice %arg6[%dma_wait3A_141, %dma_wait3A_142] : memref<16x64xi32, #tpu.memory_space<vmem>> -> memref<1x64xi32, #tpu.memory_space<vmem>>
      %dma_wait3A_144 = tpu.memref_squeeze %dma_wait3A_143 : memref<1x64xi32, #tpu.memory_space<vmem>> -> memref<64xi32, #tpu.memory_space<vmem>>
      %dma_wait3A_145 = arith.constant 0 : i32
      %dma_wait3A_146 = arith.constant 0 : i32
      %dma_wait3A_147 = tpu.memref_slice %arg2[%dma_wait3A_145, %dma_wait3A_146] : memref<10000x128xf32, #tpu.memory_space<hbm>> -> memref<10000x128xf32, #tpu.memory_space<hbm>>
      tpu.wait_indirect_dma semaphore(%arg11 : memref<!tpu.dma_semaphore, #tpu.memory_space<semaphore_mem>>) src(%dma_wait3A_147 : memref<10000x128xf32, #tpu.memory_space<hbm>>) dst(%arg8 : memref<64x128xf32, #tpu.memory_space<vmem>>)
      %run_scoped3A_148 = arith.constant 15 : i32
      "tpu.region"() ({
        %run_scoped3A_150 = tpu.sem_alloc : memref<!tpu.dma_semaphore, #tpu.memory_space<semaphore_mem>>
        %dma_start3A_151 = arith.constant 0 : i32
        %dma_start3A_152 = tpu.memref_slice %arg6[%run_scoped3A_148, %dma_start3A_151] : memref<16x64xi32, #tpu.memory_space<vmem>> -> memref<1x64xi32, #tpu.memory_space<vmem>>
        %dma_start3A_153 = tpu.memref_squeeze %dma_start3A_152 : memref<1x64xi32, #tpu.memory_space<vmem>> -> memref<64xi32, #tpu.memory_space<vmem>>
        %dma_start3A_154 = arith.constant 0 : i32
        %dma_start3A_155 = arith.constant 0 : i32
        %dma_start3A_156 = tpu.memref_slice %arg9[%dma_start3A_154, %dma_start3A_155] : memref<10112x128xf32, #tpu.memory_space<vmem_shared>> -> memref<10112x128xf32, #tpu.memory_space<vmem_shared>>
        tpu.enqueue_indirect_dma source(%arg8 : memref<64x128xf32, #tpu.memory_space<vmem>>) target(%dma_start3A_156 : memref<10112x128xf32, #tpu.memory_space<vmem_shared>>) offsets(%dma_start3A_153 : memref<64xi32, #tpu.memory_space<vmem>>) semaphore(%run_scoped3A_150 : memref<!tpu.dma_semaphore, #tpu.memory_space<semaphore_mem>>) {add = true}
        %dma_wait3A_157 = arith.constant 0 : i32
        %dma_wait3A_158 = tpu.memref_slice %arg6[%run_scoped3A_148, %dma_wait3A_157] : memref<16x64xi32, #tpu.memory_space<vmem>> -> memref<1x64xi32, #tpu.memory_space<vmem>>
        %dma_wait3A_159 = tpu.memref_squeeze %dma_wait3A_158 : memref<1x64xi32, #tpu.memory_space<vmem>> -> memref<64xi32, #tpu.memory_space<vmem>>
        %dma_wait3A_160 = arith.constant 0 : i32
        %dma_wait3A_161 = arith.constant 0 : i32
        %dma_wait3A_162 = tpu.memref_slice %arg9[%dma_wait3A_160, %dma_wait3A_161] : memref<10112x128xf32, #tpu.memory_space<vmem_shared>> -> memref<10112x128xf32, #tpu.memory_space<vmem_shared>>
        tpu.wait_indirect_dma semaphore(%run_scoped3A_150 : memref<!tpu.dma_semaphore, #tpu.memory_space<semaphore_mem>>) src(%arg8 : memref<64x128xf32, #tpu.memory_space<vmem>>) dst(%dma_wait3A_162 : memref<10112x128xf32, #tpu.memory_space<vmem_shared>>)
        tpu.yield
      }) : () -> ()
      %scan3A_149 = arith.constant 0 : i32
      scf.yield %scan3A_149 : i32
    }
    %scan3A_28 = arith.constant 20 : i32
    %barrier3A_29 = arith.constant 0 : index
    tpu.barrier barrier_id(%barrier3A_29)
    "tpu.region"() ({
      %run_scoped3A = tpu.sem_alloc : memref<!tpu.dma_semaphore, #tpu.memory_space<semaphore_mem>>
      %dma_start3A = arith.constant 0 : i32
      %dma_start3A_30 = tpu.memref_slice %arg5[%arg0, %mul3A_2, %dma_start3A] : memref<2x10112x128xf32, #tpu.memory_space<hbm>> -> memref<1x632x128xf32, #tpu.memory_space<hbm>>
      %dma_start3A_31 = tpu.memref_squeeze %dma_start3A_30 : memref<1x632x128xf32, #tpu.memory_space<hbm>> -> memref<632x128xf32, #tpu.memory_space<hbm>>
      %dma_start3A_32 = arith.constant 0 : i32
      %dma_start3A_33 = tpu.memref_slice %arg9[%mul3A_2, %dma_start3A_32] : memref<10112x128xf32, #tpu.memory_space<vmem_shared>> -> memref<632x128xf32, #tpu.memory_space<vmem_shared>>
      tpu.enqueue_dma source(%dma_start3A_33 : memref<632x128xf32, #tpu.memory_space<vmem_shared>>) target(%dma_start3A_31 : memref<632x128xf32, #tpu.memory_space<hbm>>) target_semaphore(%run_scoped3A : memref<!tpu.dma_semaphore, #tpu.memory_space<semaphore_mem>>)
      %dma_wait3A = arith.constant 0 : i32
      %dma_wait3A_34 = tpu.memref_slice %arg5[%arg0, %mul3A_2, %dma_wait3A] : memref<2x10112x128xf32, #tpu.memory_space<hbm>> -> memref<1x632x128xf32, #tpu.memory_space<hbm>>
      %dma_wait3A_35 = tpu.memref_squeeze %dma_wait3A_34 : memref<1x632x128xf32, #tpu.memory_space<hbm>> -> memref<632x128xf32, #tpu.memory_space<hbm>>
      %dma_wait3A_36 = arith.constant 0 : i32
      %dma_wait3A_37 = tpu.memref_slice %arg9[%mul3A_2, %dma_wait3A_36] : memref<10112x128xf32, #tpu.memory_space<vmem_shared>> -> memref<632x128xf32, #tpu.memory_space<vmem_shared>>
      tpu.wait_dma2 semaphore(%run_scoped3A : memref<!tpu.dma_semaphore, #tpu.memory_space<semaphore_mem>>) src(%dma_wait3A_37 : memref<632x128xf32, #tpu.memory_space<vmem_shared>>) dst(%dma_wait3A_35 : memref<632x128xf32, #tpu.memory_space<hbm>>)
      tpu.yield
    }) : () -> ()
    return
  }
}

module attributes {stable_mosaic.version = 14 : i64} {
  func.func @_tc_body(%arg0: i32, %arg1: memref<1000x128xf32, #tpu.memory_space<vmem>>, %arg2: memref<2x1000x128xf32, #tpu.memory_space<vmem>>, %arg3: memref<2x1000x128xf32, #tpu.memory_space<vmem>>, %arg4: memref<128x256xf32, #tpu.memory_space<vmem>>, %arg5: memref<1x128xf32, #tpu.memory_space<vmem>>, %arg6: memref<1000x128xf32, #tpu.memory_space<vmem>>) attributes {dimension_semantics = [#tpu.dimension_semantics<arbitrary>], iteration_bounds = array<i64: 10>, scalar_prefetch = 0 : i64, scratch_operands = 0 : i64, tpu.core_type = #tpu.core_type<tc>, window_params = [{transform_indices = @transform_0, window_bounds = array<i64: 1000, 128>}, {transform_indices = @transform_1, window_bounds = array<i64: 2, 1000, 128>}, {transform_indices = @transform_2, window_bounds = array<i64: 2, 1000, 128>}, {pipeline_mode = #tpu.pipeline_mode<synchronous>, transform_indices = @transform_3, window_bounds = array<i64: 128, 256>}, {pipeline_mode = #tpu.pipeline_mode<synchronous>, transform_indices = @transform_4, window_bounds = array<i64: 1, 128>}, {transform_indices = @transform_5, window_bounds = array<i64: 1000, 128>}]} {
    %get3A = arith.constant 0 : index
    %get3A_0 = arith.constant 0 : index
    %get3A_1 = arith.constant 0 : index
    %get3A_2 = vector.load %arg2[%get3A, %get3A_0, %get3A_1] : memref<2x1000x128xf32, #tpu.memory_space<vmem>>, vector<1x1000x128xf32>
    %get3A_3 = vector.shape_cast %get3A_2 : vector<1x1000x128xf32> to vector<1000x128xf32>
    %get3A_4 = arith.constant 1 : index
    %get3A_5 = arith.constant 0 : index
    %get3A_6 = arith.constant 0 : index
    %get3A_7 = vector.load %arg2[%get3A_4, %get3A_5, %get3A_6] : memref<2x1000x128xf32, #tpu.memory_space<vmem>>, vector<1x1000x128xf32>
    %get3A_8 = vector.shape_cast %get3A_7 : vector<1x1000x128xf32> to vector<1000x128xf32>
    %add3A = arith.addf %get3A_3, %get3A_8 : vector<1000x128xf32>
    %get3A_9 = arith.constant 0 : index
    %get3A_10 = arith.constant 0 : index
    %get3A_11 = arith.constant 0 : index
    %get3A_12 = vector.load %arg3[%get3A_9, %get3A_10, %get3A_11] : memref<2x1000x128xf32, #tpu.memory_space<vmem>>, vector<1x1000x128xf32>
    %get3A_13 = vector.shape_cast %get3A_12 : vector<1x1000x128xf32> to vector<1000x128xf32>
    %slice3A = vector.extract_strided_slice %get3A_13 {offsets = [0, 0], sizes = [1000, 1], strides = [1, 1]} : vector<1000x128xf32> to vector<1000x1xf32>
    %get3A_14 = arith.constant 1 : index
    %get3A_15 = arith.constant 0 : index
    %get3A_16 = arith.constant 0 : index
    %get3A_17 = vector.load %arg3[%get3A_14, %get3A_15, %get3A_16] : memref<2x1000x128xf32, #tpu.memory_space<vmem>>, vector<1x1000x128xf32>
    %get3A_18 = vector.shape_cast %get3A_17 : vector<1x1000x128xf32> to vector<1000x128xf32>
    %slice3A_19 = vector.extract_strided_slice %get3A_18 {offsets = [0, 0], sizes = [1000, 1], strides = [1, 1]} : vector<1000x128xf32> to vector<1000x1xf32>
    %add3A_20 = arith.addf %slice3A, %slice3A_19 : vector<1000x1xf32>
    %max3A = arith.constant 1.000000e+00 : f32
    %max3A_21 = vector.broadcast %max3A : f32 to vector<1000x1xf32>
    %max3A_22 = arith.maximumf %add3A_20, %max3A_21 : vector<1000x1xf32>
    %div3A = vector.broadcast %max3A_22 : vector<1000x1xf32> to vector<1000x128xf32>
    %div3A_23 = arith.divf %add3A, %div3A : vector<1000x128xf32>
    %get3A_24 = arith.constant 0 : index
    %get3A_25 = arith.constant 0 : index
    %get3A_26 = vector.load %arg4[%get3A_24, %get3A_25] : memref<128x256xf32, #tpu.memory_space<vmem>>, vector<128x256xf32>
    %get3A_27 = arith.constant 0 : index
    %get3A_28 = arith.constant 0 : index
    %get3A_29 = vector.load %arg1[%get3A_27, %get3A_28] : memref<1000x128xf32, #tpu.memory_space<vmem>>, vector<1000x128xf32>
    %slice3A_30 = vector.extract_strided_slice %get3A_26 {offsets = [0, 0], sizes = [128, 128], strides = [1, 1]} : vector<128x256xf32> to vector<128x128xf32>
    %dot_general3A = arith.constant dense<0.000000e+00> : vector<1000x128xf32>
    %dot_general3A_31 = tpu.matmul %get3A_29, %slice3A_30, %dot_general3A {dimension_numbers = #tpu.dot_dimension_numbers<[1], [1], [0], [0], [0, 0, 1, 0], [], []>, transpose_lhs_hint = false} : vector<1000x128xf32>, vector<128x128xf32>, vector<1000x128xf32> -> vector<1000x128xf32>
    %slice3A_32 = vector.extract_strided_slice %get3A_26 {offsets = [0, 128], sizes = [128, 128], strides = [1, 1]} : vector<128x256xf32> to vector<128x128xf32>
    %dot_general3A_33 = arith.constant dense<0.000000e+00> : vector<1000x128xf32>
    %dot_general3A_34 = tpu.matmul %div3A_23, %slice3A_32, %dot_general3A_33 {dimension_numbers = #tpu.dot_dimension_numbers<[1], [1], [0], [0], [0, 0, 1, 0], [], []>, transpose_lhs_hint = false} : vector<1000x128xf32>, vector<128x128xf32>, vector<1000x128xf32> -> vector<1000x128xf32>
    %add3A_35 = arith.addf %dot_general3A_31, %dot_general3A_34 : vector<1000x128xf32>
    %get3A_36 = arith.constant 0 : index
    %get3A_37 = arith.constant 0 : index
    %get3A_38 = vector.load %arg5[%get3A_36, %get3A_37] : memref<1x128xf32, #tpu.memory_space<vmem>>, vector<1x128xf32>
    %add3A_39 = vector.broadcast %get3A_38 : vector<1x128xf32> to vector<1000x128xf32>
    %add3A_40 = arith.addf %add3A_35, %add3A_39 : vector<1000x128xf32>
    %swap3A = arith.constant 0 : index
    %swap3A_41 = arith.constant 0 : index
    %swap3A_42 = vector.load %arg6[%swap3A, %swap3A_41] : memref<1000x128xf32, #tpu.memory_space<vmem>>, vector<1000x128xf32>
    tpu.vector_store %arg6[%swap3A, %swap3A_41], %add3A_40 {strides = array<i32>} : memref<1000x128xf32, #tpu.memory_space<vmem>>, vector<1000x128xf32>,
    return
  }
  func.func @transform_0(%arg0: i32) -> (i32, i32) {
    %c0_i32 = arith.constant 0 : i32
    %c0_i32_0 = arith.constant 0 : i32
    return %arg0, %c0_i32 : i32, i32
  }
  func.func @transform_1(%arg0: i32) -> (i32, i32, i32) {
    %c0_i32 = arith.constant 0 : i32
    %c0_i32_0 = arith.constant 0 : i32
    %c0_i32_1 = arith.constant 0 : i32
    return %c0_i32, %arg0, %c0_i32_0 : i32, i32, i32
  }
  func.func @transform_2(%arg0: i32) -> (i32, i32, i32) {
    %c0_i32 = arith.constant 0 : i32
    %c0_i32_0 = arith.constant 0 : i32
    %c0_i32_1 = arith.constant 0 : i32
    return %c0_i32, %arg0, %c0_i32_0 : i32, i32, i32
  }
  func.func @transform_3(%arg0: i32) -> (i32, i32) {
    %c0_i32 = arith.constant 0 : i32
    %c0_i32_0 = arith.constant 0 : i32
    %c0_i32_1 = arith.constant 0 : i32
    return %c0_i32, %c0_i32_0 : i32, i32
  }
  func.func @transform_4(%arg0: i32) -> (i32, i32) {
    %c0_i32 = arith.constant 0 : i32
    %c0_i32_0 = arith.constant 0 : i32
    %c0_i32_1 = arith.constant 0 : i32
    return %c0_i32, %c0_i32_0 : i32, i32
  }
  func.func @transform_5(%arg0: i32) -> (i32, i32) {
    %c0_i32 = arith.constant 0 : i32
    %c0_i32_0 = arith.constant 0 : i32
    return %arg0, %c0_i32 : i32, i32
  }
}

</mosaic_0001>

<sc_bundles>
// kernel: kernel.5.cloned.1.call-start
scs
__scs_entry_jumppad:
0x0: {  	(pc) =	sbr.rel $0x88, $3  }
0x1: {  	(tag) =	ssettag $0x0;
	lr =	simm.s32 $0x1  }
0x2: {  	[smem:$0x3F9D] =	sst lr;
	_ =	strace $0xD0000000  }
0x3: {  	_ = 	snop  }
0x4: {  	_ = 	snop  }
0x5: {  	_ = 	snop  }
0x6: {  	_ = 	snop  }
0x7: {  	_ = 	snop  }
__scs_overlays_trampoline_lowered:
0x8: {  	[smem:$0x3FAC] =	sst s0  }
0x9: {  	[smem:$0x3FAD] =	sst s1  }
0xa: {  	[smem:$0x3FAE] =	sst s2  }
0xb: {  	[smem:$0x3FAF] =	sst s3  }
0xc: {  	[smem:$0x3FB0] =	sst s4  }
0xd: {  	[smem:$0x3FB1] =	sst s5  }
0xe: {  	[smem:$0x3FB2] =	sst s6  }
0xf: {  	[smem:$0x3FB3] =	sst s7  }
0x10: {  	[smem:$0x3FB4] =	sst s8  }
0x11: {  	[smem:$0x3FB5] =	sst s9;
	s0 =	simm.s32 @!p0 $0x0  }
0x12: {  	s1 =	sld [smem:$0x3F9B];
	s0 =	simm.s32 @p0 $0x1  }
0x13: {  	[smem:$0x3FB6] =	sst s0;
	s0 =	simm.s32 @!p1 $0x0  }
0x14: {  	s2 =	sld [smem:$0x3F9A];
	s0 =	simm.s32 @p1 $0x1  }
0x15: {  	[smem:$0x3FB7] =	sst s0;
	s0 =	simm.s32 @!p2 $0x0  }
0x16: {  	s3 =	sld [smem:$0x3FDB];
	s0 =	simm.s32 @p2 $0x1  }
0x17: {  	s4 =	simm.s32 $0x1BF5;
	[smem:$0x3FB9] =	sst s0  }
0x18: {  	s0 =	sld [smem:$0x3F9C];
	_ =	swait.ge [sflag:s4], $0x0  }
0x19: {  	s7 =	sld [smem:$0x3F9D]  }
0x1a: {  	s8 =	sadd.s32 $0xFFFFE003, lr  }
0x1b: {  	s9 =	sadd.s32 $0xFFFFFEF7, lr;
	s5 =	simm.s32 $0xFFFFFFFF;
	p2 =	slt.u32 s8, $0xFFFFF086  }
0x1c: {  	p1 =	slt.u32 s9, $0xF7A;
	s5 =	simm.s32 @!p2 $0x0  }
0x1d: {  	s5 =	simm.s32 @p1 $0x1;
	p0 =	seq.s32 s7, s2  }
0x1e: {  	s7 =	smul.u32 @!p0 $0xF7A, s2;
	p2 =	seq.s32 @!p0 s5, $0x0  }
0x1f: {  	s9 =	smul.u32 $0xF7A, s1;
	s8 =	simm.s32 @!p0 $0x1BF5;
	p2 =	por !p2, p0  }
0x20: {  	[sflag:s8] =	ssyncset.s32 @!p0 $0xFFFFF086;
	s6 =	sadd.s32 @!p0 s3, s7;
	s7 =	simm.s32 @!p0 $0x108  }
0x21: {  	s3 =	sadd.s32 s3, s9;
	s6 =	sadd.s32 @!p0 $0x88, s6;
	s7 =	simm.s32 @p2 $0x1082  }
0x22: {  	[simem:s7], [sflag:s8] =	dma.local @!p0 [hbm:s6], $0xF7A  }
0x23: {  	s9 =	sor.u32 $0xD0000000, s2;
	s6 =	simm.s32 $0x108;
	_ =	swait.ge @!p0 [sflag:s8], $0x0  }
0x24: {  	s3 =	sadd.s32 $0x88, s3;
	s6 =	simm.s32 @!p1 $0x1082;
	[sflag:s4] =	ssyncset.s32 $0xFFFFF086  }
0x25: {  	[simem:s6], [sflag:s4] =	dma.local [hbm:s3], $0xF7A  }
0x26: {  	[smem:$0x3F9D] =	sst s1;
	(tag) =	ssettag s2;
	_ =	strace s9  }
0x27: {  	s1 =	sld [smem:$0x3FAD]  }
0x28: {  	s2 =	sld [smem:$0x3FAE]  }
0x29: {  	s4 =	sld [smem:$0x3FB0]  }
0x2a: {  	p0 =	seq.s32 s5, $0x0;
	s5 =	sld [smem:$0x3FB1]  }
0x2b: {  	s6 =	sld [smem:$0x3FB2]  }
0x2c: {  	s7 =	sld [smem:$0x3FB3]  }
0x2d: {  	s3 =	simm.s32 $0x108;
	s8 =	sld [smem:$0x3FB4]  }
0x2e: {  	s3 =	simm.s32 @!p0 $0x1082;
	s9 =	sld [smem:$0x3FB5]  }
0x2f: {  	lr =	sadd.s32 s0, s3;
	s0 =	sld [smem:$0x3FAC]  }
0x30: {  	s3 =	sld [smem:$0x3FAF]  }
0x31: {  	[smem:$0x3FB8] =	sst s10  }
0x32: {  	s10 =	sld [smem:$0x3FB6];
	_ =	sdelay $0x3  }
0x33: {  	p0 =	seq.s32 s10, $0x1;
	s10 =	sld [smem:$0x3FB8];
	_ =	sdelay $0x3  }
0x34: {  	[smem:$0x3FB8] =	sst s10  }
0x35: {  	s10 =	sld [smem:$0x3FB7];
	_ =	sdelay $0x3  }
0x36: {  	p1 =	seq.s32 s10, $0x1;
	s10 =	sld [smem:$0x3FB8];
	_ =	sdelay $0x3  }
0x37: {  	[smem:$0x3FB8] =	sst s10  }
0x38: {  	s10 =	sld [smem:$0x3FB9]  }
0x39: {  	_ = 	snop;
	(pc) =	sbr.ind lr, $3  }
0x3a: {  	_ = 	snop  }
0x3b: {  	_ = 	snop  }
0x3c: {  	p2 =	seq.s32 s10, $0x1;
	s10 =	sld [smem:$0x3FB8]  }
0x3d: {  	_ =	shalt  }
0x3e: {  	_ =	shalt  }
0x3f: {  	_ =	shalt  }
0x40: {  	_ =	shalt  }
0x41: {  	_ =	shalt  }
0x42: {  	_ =	shalt  }
0x43: {  	_ =	shalt  }
0x44: {  	_ =	shalt  }
0x45: {  	_ =	shalt  }
0x46: {  	_ =	shalt  }
0x47: {  	_ =	shalt  }
0x48: {  	_ =	shalt  }
0x49: {  	_ =	shalt  }
0x4a: {  	_ =	shalt  }
0x4b: {  	_ =	shalt  }
0x4c: {  	_ =	shalt  }
0x4d: {  	_ =	shalt  }
0x4e: {  	_ =	shalt  }
0x4f: {  	_ =	shalt  }
0x50: {  	_ =	shalt  }
0x51: {  	_ =	shalt  }
0x52: {  	_ =	shalt  }
0x53: {  	_ =	shalt  }
0x54: {  	_ =	shalt  }
0x55: {  	_ =	shalt  }
0x56: {  	_ =	shalt  }
0x57: {  	_ =	shalt  }
0x58: {  	_ =	shalt  }
0x59: {  	_ =	shalt  }
0x5a: {  	_ =	shalt  }
0x5b: {  	_ =	shalt  }
0x5c: {  	_ =	shalt  }
0x5d: {  	_ =	shalt  }
0x5e: {  	_ =	shalt  }
0x5f: {  	_ =	shalt  }
0x60: {  	_ =	shalt  }
0x61: {  	_ =	shalt  }
0x62: {  	_ =	shalt  }
0x63: {  	_ =	shalt  }
0x64: {  	_ =	shalt  }
0x65: {  	_ =	shalt  }
0x66: {  	_ =	shalt  }
0x67: {  	_ =	shalt  }
0x68: {  	_ =	shalt  }
0x69: {  	_ =	shalt  }
0x6a: {  	_ =	shalt  }
0x6b: {  	_ =	shalt  }
0x6c: {  	_ =	shalt  }
0x6d: {  	_ =	shalt  }
0x6e: {  	_ =	shalt  }
0x6f: {  	_ =	shalt  }
0x70: {  	_ =	shalt  }
0x71: {  	_ =	shalt  }
0x72: {  	_ =	shalt  }
0x73: {  	_ =	shalt  }
0x74: {  	_ =	shalt  }
0x75: {  	_ =	shalt  }
0x76: {  	_ =	shalt  }
0x77: {  	_ =	shalt  }
0x78: {  	_ =	shalt  }
0x79: {  	_ =	shalt  }
0x7a: {  	_ =	shalt  }
0x7b: {  	_ =	shalt  }
0x7c: {  	_ =	shalt  }
0x7d: {  	_ =	shalt  }
0x7e: {  	_ =	shalt  }
0x7f: {  	_ =	shalt  }
0x80: {  	_ =	shalt  }
0x81: {  	_ =	shalt  }
0x82: {  	_ =	shalt  }
0x83: {  	_ =	shalt  }
0x84: {  	_ =	shalt  }
0x85: {  	_ =	shalt  }
0x86: {  	_ =	shalt  }
0x87: {  	_ =	shalt  }
.Lfunc_end0:
.L_simem_size_0:
called_computation_lowered:
.L_overlay_start_0:
0x88: {  	s2 =	sld [smem:$0x3FD9]  }
0x89: {  	s3 =	sld [smem:$0x3FFE];
	_ =	sdelay $0x1  }
0x8a: {  	s1 =	srdreg.scid  }
0x8b: {  	s0 =	sand.u32 $0x1, s1  }
0x8c: {  	s17 =	sshll.u32 s0, $0xA;
	s2 =	sadd.s32 s3, s2  }
0x8d: {  	s2 =	sadd.s32 s2, s17  }
0x8e: {  	[smem:$0x3FC4] =	sst s2  }
0x8f: {  	_ = 	snop  }
0x90: {  	s4 =	sld [smem:$0x3FC9]  }
0x91: {  	s18 =	sld [smem:$0x3FD0];
	(tm) =	ssettm $0x1  }
0x92: {  	s19 =	sld [smem:$0x3FFB];
	_ =	sdelay $0x3  }
0x93: {  	_ =	strace s19  }
0x94: {  	s2 =	sld [smem:$0x3FFC];
	_ =	sdelay $0x3  }
0x95: {  	_ =	strace s2  }
0x96: {  	s2 =	sld [smem:$0x3FFD];
	_ =	sdelay $0x3  }
0x97: {  	_ =	strace s2  }
0x98: {  	_ =	strace $0x8FFFFFFF  }
0x99: {  	s20 =	sld [smem:$0x3FDB];
	_ =	sdelay $0x1  }
0x9a: {  	s5 =	simm.s32 $_scs_section_size  }
0x9b: {  	s6 =	simm.s32 $_size__tile_overlayer_lowered;
	s7 =	simm.s32 $_tile_overlayer_lowered  }
0x9c: {  	s8 =	simm.s32 $0x1BFF;
	s21 =	sshll.u32 s7, $0x1;
	s5 =	sadd.s32 s5, s20  }
0x9d: {  	s22 =	simm.s32 $0x0;
	s6 =	sshll.u32 s6, $0x1;
	s7 =	sadd.s32 s21, s5  }
0x9e: {  	[timem:s22], [sflag:s8] =	dma.local [hbm:s7], s6  }
0x9f: {  	_ =	swait.ge [sflag:s8], s6  }
0xa0: {  	s6 =	ssub.s32 $0x0, s6;
	[sflag:s8] =	ssyncset.done $0x0  }
0xa1: {  	[sflag:s8] =	ssyncadd.s32 s6;
	_ =	sdelay $0x1  }
0xa2: {  	s23 =	simm.s32 $0x1B8B  }
0xa3: {  	_ =	swait.ge [sflag:s23], $0x1  }
0xa4: {  	[sflag:s23] =	ssyncset.done $0x0  }
0xa5: {  	[sflag:s23] =	ssyncadd.s32 $0xFFFFFFFF  }
0xa6: {  	s6 =	sld [smem:$0x0]  }
0xa7: {  	s7 =	sand.u32 $0xFFFFFFFE, s1  }
0xa8: {  	p0 =	sne.s32 s1, s7  }
0xa9: {  	s7 =	sshll.u32 @p0 s7, $0xE  }
0xaa: {  	s7 =	sadd.s32 @p0 $0x11B8D, s7;
	s8 =	sshll.u32 @p0 s6, $0x11  }
0xab: {  	s7 =	sor.u32 @p0 s8, s7  }
0xac: {  	[sflag:s7] =	ssyncadd.remote.s32 @p0 $0x1;
	_ =	sdelay $0x1  }
0xad: {  	s7 =	simm.s32 @p0 $0x1B8D  }
0xae: {  	_ =	swait.eq @p0 [sflag:s7], $0x1  }
0xaf: {  	[sflag:s7] =	ssyncadd.s32 @p0 $0xFFFFFFFF  }
0xb0: {  	s8 =	sshll.u32 @!p0 s1, $0xE  }
0xb1: {  	s8 =	sor.u32 @!p0 $0x4000, s8;
	s7 =	simm.s32 @!p0 $0x1B8D  }
0xb2: {  	s6 =	sshll.u32 @!p0 s6, $0x11;
	s8 =	sadd.s32 @!p0 $0x11B8D, s8;
	_ =	swait.eq @!p0 [sflag:s7], $0x1  }
0xb3: {  	s6 =	sor.u32 @!p0 s6, s8;
	[sflag:s7] =	ssyncadd.s32 @!p0 $0xFFFFFFFF  }
0xb4: {  	s25 =	simm.s32 $0x1B8E;
	s24 =	sld [smem:$0x3FFE];
	[sflag:s6] =	ssyncadd.remote.s32 @!p0 $0x1  }
0xb5: {  	s26 =	simm.s32 $execute0_lowered;
	[smem:$0x3FD2] =	sst s25  }
0xb6: {  	s7 =	sshll.u32 s26, $0x1;
	_ =	strace $0x80000049;
	[dreg:$0x1] =	wrdreg $0xFFFFFFFF  }
0xb7: {  	s28 =	simm.s32 $_size_execute0_lowered;
	s5 =	sadd.s32 s5, s7;
	[dreg:$0x0] =	wrdreg $0x0  }
0xb8: {  	s7 =	sshll.u32 s28, $0x1;
	[dreg:$0x2] =	wrdreg s5  }
0xb9: {  	[dreg:$0x3] =	wrdreg s7  }
0xba: {  	[dreg:$0x4] =	wrdreg $0xC0  }
0xbb: {  	_ =	task [dreg:s22], $0x5FFFF  }
0xbc: {  	[dreg:$0x1] =	wrdreg $0xFFFFFFFF  }
0xbd: {  	[dreg:$0x0] =	wrdreg $0x60  }
0xbe: {  	[dreg:$0x2] =	wrdreg s4  }
0xbf: {  	[dreg:$0x3] =	wrdreg s24  }
0xc0: {  	[dreg:$0x4] =	wrdreg s18  }
0xc1: {  	[dreg:$0x5] =	wrdreg $0x48000  }
0xc2: {  	[dreg:$0x6] =	wrdreg $0x9  }
0xc3: {  	_ =	task.clear_ibuf [dreg:s22], $0x7FFFF;
	_ =	strace $0x90000049  }
0xc4: {  	s29 =	simm.s32 $0x9;
	_ =	strace $0x8000004B  }
0xc5: {  	_ =	swait.ge [sflag:s29], $0x1  }
0xc6: {  	[sflag:s29] =	ssyncadd.s32 $0xFFFFFFFF  }
0xc7: {  	_ =	strace $0x9000004B  }
0xc8: {  	_ =	sfence  }
0xc9: {  	s30 =	sld [smem:$0x0];
	_ =	sdelay $0x2  }
0xca: {  	s31 =	sshll.u32 s1, $0xD;
	s1 =	sshrl.u32 s1, $0x2  }
0xcb: {  	s4 =	sand.u32 $0x4000, s31;
	s1 =	sadd.s32 s1, s30  }
0xcc: {  	s0 =	sor.u32 s4, s0;
	s1 =	sshll.u32 s1, $0x11  }
0xcd: {  	s0 =	sor.u32 s1, s0  }
0xce: {  	s0 =	sadd.s32 $0x8F2B, s0  }
0xcf: {  	[sflag:s0] =	ssyncadd.remote.s32 $0x1  }
0xd0: {  	_ =	sfence.sel $0xFFFF  }
0xd1: {  	[dreg:$0x0] =	wrdreg $0xFFFFFFFF;
	(pc) =	sbr.abs _section_cstart, $3  }
0xd2: {  	[dreg:$0x1] =	wrdreg $0xFFFFFFFF  }
0xd3: {  	_ =	task.clear_ibuf [dreg:s22], $0x2FFFF;
	_ =	strace $0x9FFFFFFF  }
0xd4: {  	(tm) =	ssettm $0x7FFFFFFF  }
0xd5: {  	_ =	shalt  }
tec
execute0_lowered:
.L_overlay_start_1:
0x0: {  	(tag) =	ssettag $0x1  }
0x1: {  	s0 =	rddreg [dreg:$0x0]  }
0x2: {  	s1 =	rddreg [dreg:$0x1]  }
0x3: {  	s2 =	srdreg.scid;
	s8 =	stileid.u32  }
0x4: {  	s4 =	rddreg [dreg:$0x3];
	s5 =	simm.s32 $0x0;
	s6 =	smul.u32 $0xA000, s8  }
0x5: {  	s28 =	simm.s32 $0x100;
	s29 =	simm.s32 $0x480;
	s15 =	smul.u32 $0x13C00, s8  }
0x6: {  	s30 =	simm.s32 $0x180;
	s2 =	sand.u32 $0x1, s2;
	s8 =	smul.u32 $0x4F000, s8  }
0x7: {  	s31 =	simm.s32 $0x500;
	s10 =	simm.s32 $0x380;
	s3 =	smul.u32 $0xA0000, s2  }
0x8: {  	s11 =	simm.s32 $0x700;
	s7 =	smul.u32 $0x13C000, s2;
	s2 =	ssub.s32 $0x2, s2  }
0x9: {  	[smem:$0x7FF] =	sst s5;
	s16 =	sshrl.u32 s8, $0x2;
	s9 =	sshrl.u32 s2, $0x1  }
0xa: {  	s3 =	sadd.s32 s6, s3;
	s6 =	sadd.s32 s15, s7;
	s2 =	ssub.s32 s2, s9  }
0xb: {  	s17 =	sshrl.u32 s6, $0x3;
	s6 =	sadd.s32 s16, s4;
	s26 =	smax.u32 s2, $0x1  }
0xc: {  	_ =	strace $0x8000004A;
	s7 =	sadd.s32 $0x2000, s6;
	[dreg:$0xf] =	wrdreg s26  }
0xd: {  	s12 =	simm.s32 $0x780;
	s18 =	sadd.s32 $0x4000, s6;
	[dreg:$0x5] =	wrdreg s7  }
0xe: {  	s13 =	simm.s32 $0x0;
	s19 =	sadd.s32 $0x6000, s6;
	[dreg:$0x6] =	wrdreg s18  }
0xf: {  	s8 =	simm.s32 $0x300;
	s20 =	sadd.s32 $0x8000, s6;
	[dreg:$0x7] =	wrdreg s19  }
0x10: {  	s9 =	simm.s32 $0x680;
	s21 =	sadd.s32 $0xA000, s6;
	[dreg:$0x8] =	wrdreg s20  }
0x11: {  	s3 =	sshrl.u32 s3, $0x3;
	s22 =	sadd.s32 $0xC000, s6;
	[dreg:$0x9] =	wrdreg s21  }
0x12: {  	s2 =	simm.s32 $0x200;
	s23 =	sadd.s32 $0xE000, s6;
	[dreg:$0xa] =	wrdreg s22  }
0x13: {  	s3 =	sadd.s32 s3, s1;
	s24 =	sadd.s32 $0x10000, s6;
	[dreg:$0xb] =	wrdreg s23  }
0x14: {  	s1 =	sadd.s32 s17, s1;
	s25 =	sadd.s32 $0x12000, s6;
	[dreg:$0xc] =	wrdreg s24  }
0x15: {  	s26 =	simm.s32 $0x2;
	[dreg:$0xd] =	wrdreg s25;
	s1 =	sadd.s32 $0x78400, s1  }
0x16: {  	s18 =	sadd.s32 $0x1000, s3;
	s19 =	simm.s32 $0x800;
	s20 =	simm.s32 $0x3  }
0x17: {  	s21 =	simm.s32 $0x40;
	s22 =	simm.s32 $0x1;
	s23 =	simm.s32 $0x80  }
0x18: {  	s24 =	simm.s32 $0x2800;
	s25 =	simm.s32 $0x400;
	s3 =	simm.s32 $0x580  }
0x19: {  	s7 =	simm.s32 $0x600;
	[dreg:$0xe] =	wrdreg s1;
	s1 =	simm.s32 $0x280  }
.LBB2_1:
0x1a: {  	s14 =	rddreg [dreg:$0x2]  }
0x1b: {  	[tilespmem:s19], [sflag:$0x3] =	stream.linear.gather [hbm4b:s14+s5], $0x2000, $0x38;
	[tilespmem:$0x18400] =	vst v63  }
0x1c: {  	_ =	swait.ge [sflag:s20], $0x2000  }
0x1d: {  	[sflag:s20] =	ssyncset.done $0x0  }
0x1e: {  	[sflag:s20] =	ssyncadd.s32 $0xFFFFE000  }
0x1f: {  	[spmem:s6] =	stream.linear.scatter [tilespmem:s19], [sflag:$0x3], $0x2000, $0x38;
	[tilespmem:$0x18400] =	vst v63  }
0x20: {  	_ =	swait.ge [sflag:s20], $0x2000  }
0x21: {  	[sflag:s20] =	ssyncset.done $0x0  }
0x22: {  	s17 =	rddreg [dreg:$0x5];
	[sflag:s20] =	ssyncadd.s32 $0xFFFFE000  }
0x23: {  	[spmem:s17] =	stream.linear.scatter [tilespmem:s19], [sflag:$0x3], $0x2000, $0x38;
	[tilespmem:$0x18400] =	vst v63  }
0x24: {  	_ =	swait.ge [sflag:s20], $0x2000  }
0x25: {  	[sflag:s20] =	ssyncset.done $0x0  }
0x26: {  	s15 =	rddreg [dreg:$0x6];
	[sflag:s20] =	ssyncadd.s32 $0xFFFFE000  }
0x27: {  	[spmem:s15] =	stream.linear.scatter [tilespmem:s19], [sflag:$0x3], $0x2000, $0x38;
	[tilespmem:$0x18400] =	vst v63  }
0x28: {  	_ =	swait.ge [sflag:s20], $0x2000  }
0x29: {  	[sflag:s20] =	ssyncset.done $0x0  }
0x2a: {  	s16 =	rddreg [dreg:$0x7];
	[sflag:s20] =	ssyncadd.s32 $0xFFFFE000  }
0x2b: {  	[spmem:s16] =	stream.linear.scatter [tilespmem:s19], [sflag:$0x3], $0x2000, $0x38;
	[tilespmem:$0x18400] =	vst v63  }
0x2c: {  	_ =	swait.ge [sflag:s20], $0x2000  }
0x2d: {  	[sflag:s20] =	ssyncset.done $0x0  }
0x2e: {  	s17 =	rddreg [dreg:$0x8];
	[sflag:s20] =	ssyncadd.s32 $0xFFFFE000  }
0x2f: {  	[spmem:s17] =	stream.linear.scatter [tilespmem:s19], [sflag:$0x3], $0x2000, $0x38;
	[tilespmem:$0x18400] =	vst v63  }
0x30: {  	_ =	swait.ge [sflag:s20], $0x2000  }
0x31: {  	[sflag:s20] =	ssyncset.done $0x0  }
0x32: {  	s15 =	rddreg [dreg:$0x9];
	[sflag:s20] =	ssyncadd.s32 $0xFFFFE000  }
0x33: {  	[spmem:s15] =	stream.linear.scatter [tilespmem:s19], [sflag:$0x3], $0x2000, $0x38;
	[tilespmem:$0x18400] =	vst v63  }
0x34: {  	_ =	swait.ge [sflag:s20], $0x2000  }
0x35: {  	[sflag:s20] =	ssyncset.done $0x0  }
0x36: {  	s16 =	rddreg [dreg:$0xa];
	[sflag:s20] =	ssyncadd.s32 $0xFFFFE000  }
0x37: {  	[spmem:s16] =	stream.linear.scatter [tilespmem:s19], [sflag:$0x3], $0x2000, $0x38;
	[tilespmem:$0x18400] =	vst v63  }
0x38: {  	_ =	swait.ge [sflag:s20], $0x2000  }
0x39: {  	[sflag:s20] =	ssyncset.done $0x0  }
0x3a: {  	s17 =	rddreg [dreg:$0xb];
	[sflag:s20] =	ssyncadd.s32 $0xFFFFE000  }
0x3b: {  	[spmem:s17] =	stream.linear.scatter [tilespmem:s19], [sflag:$0x3], $0x2000, $0x38;
	[tilespmem:$0x18400] =	vst v63  }
0x3c: {  	_ =	swait.ge [sflag:s20], $0x2000  }
0x3d: {  	[sflag:s20] =	ssyncset.done $0x0  }
0x3e: {  	s15 =	rddreg [dreg:$0xc];
	[sflag:s20] =	ssyncadd.s32 $0xFFFFE000  }
0x3f: {  	[spmem:s15] =	stream.linear.scatter [tilespmem:s19], [sflag:$0x3], $0x2000, $0x38;
	[tilespmem:$0x18400] =	vst v63  }
0x40: {  	_ =	swait.ge [sflag:s20], $0x2000  }
0x41: {  	[sflag:s20] =	ssyncset.done $0x0  }
0x42: {  	s16 =	rddreg [dreg:$0xd];
	[sflag:s20] =	ssyncadd.s32 $0xFFFFE000  }
0x43: {  	[spmem:s16] =	stream.linear.scatter [tilespmem:s19], [sflag:$0x3], $0x1C00, $0x38;
	[tilespmem:$0x18400] =	vst v63  }
0x44: {  	_ =	swait.ge [sflag:s20], $0x1C00  }
0x45: {  	[sflag:s20] =	ssyncset.done $0x0  }
0x46: {  	[sflag:s20] =	ssyncadd.s32 $0xFFFFE400  }
0x47: {  	s17 =	sadd.s32 $0x0, s18;
	[bflag:$0x0] =	sbarrier.arrive $0xFFFF  }
0x48: {  	[tilespmem:s5], [sflag:$0x3] =	stream.linear.gather [hbm4b:s17+s5], $0x800, $0x38;
	[tilespmem:$0x18400] =	vst v63  }
0x49: {  	_ =	swait.ge [sflag:s20], $0x800  }
0x4a: {  	[sflag:s20] =	ssyncset.done $0x0  }
0x4b: {  	[sflag:s20] =	ssyncadd.s32 $0xFFFFF800  }
0x4c: {  	[tilespmem:s19], [sflag:$0x1] =	stream.indirect.gather [hbm4b:s0+s21], $0x80, s5, s21, $0xb8;
	[tilespmem:$0x18400] =	vst v63  }
0x4d: {  	_ =	swait.ge [sflag:s22], $0x2000  }
0x4e: {  	[sflag:s22] =	ssyncset.done $0x0  }
0x4f: {  	[sflag:s22] =	ssyncadd.s32 $0xFFFFE000  }
0x50: {  	[tilespmem:s24], [sflag:$0x2] =	stream.indirect.gather [hbm4b:s0+s21], $0x80, s23, s21, $0xb8;
	[tilespmem:$0x18400] =	vst v63  }
0x51: {  	_ = 	snop  }
0x52: {  	[spmem:s4] =	stream.indirect.scatter.add.f32 [tilespmem:s19], [sflag:$0x3], $0x80, s25, s21, $0xb8;
	[tilespmem:$0x18400] =	vst v63  }
0x53: {  	_ =	swait.ge [sflag:s20], $0x2000  }
0x54: {  	[sflag:s20] =	ssyncset.done $0x0  }
0x55: {  	[sflag:s20] =	ssyncadd.s32 $0xFFFFE000  }
0x56: {  	_ =	swait.ge [sflag:s26], $0x2000  }
0x57: {  	[sflag:s26] =	ssyncset.done $0x0  }
0x58: {  	[sflag:s26] =	ssyncadd.s32 $0xFFFFE000  }
0x59: {  	[tilespmem:s19], [sflag:$0x1] =	stream.indirect.gather [hbm4b:s0+s21], $0x80, s28, s21, $0xb8;
	[tilespmem:$0x18400] =	vst v63  }
0x5a: {  	_ = 	snop  }
0x5b: {  	[spmem:s4] =	stream.indirect.scatter.add.f32 [tilespmem:s24], [sflag:$0x3], $0x80, s29, s21, $0xb8;
	[tilespmem:$0x18400] =	vst v63  }
0x5c: {  	_ =	swait.ge [sflag:s20], $0x2000  }
0x5d: {  	[sflag:s20] =	ssyncset.done $0x0  }
0x5e: {  	[sflag:s20] =	ssyncadd.s32 $0xFFFFE000  }
0x5f: {  	_ =	swait.ge [sflag:s22], $0x2000  }
0x60: {  	[sflag:s22] =	ssyncset.done $0x0  }
0x61: {  	[sflag:s22] =	ssyncadd.s32 $0xFFFFE000  }
0x62: {  	[tilespmem:s24], [sflag:$0x2] =	stream.indirect.gather [hbm4b:s0+s21], $0x80, s30, s21, $0xb8;
	[tilespmem:$0x18400] =	vst v63  }
0x63: {  	_ = 	snop  }
0x64: {  	[spmem:s4] =	stream.indirect.scatter.add.f32 [tilespmem:s19], [sflag:$0x3], $0x80, s31, s21, $0xb8;
	[tilespmem:$0x18400] =	vst v63  }
0x65: {  	_ =	swait.ge [sflag:s20], $0x2000  }
0x66: {  	[sflag:s20] =	ssyncset.done $0x0  }
0x67: {  	[sflag:s20] =	ssyncadd.s32 $0xFFFFE000  }
0x68: {  	_ =	swait.ge [sflag:s26], $0x2000  }
0x69: {  	[sflag:s26] =	ssyncset.done $0x0  }
0x6a: {  	[sflag:s26] =	ssyncadd.s32 $0xFFFFE000  }
0x6b: {  	[tilespmem:s19], [sflag:$0x1] =	stream.indirect.gather [hbm4b:s0+s21], $0x80, s2, s21, $0xb8;
	[tilespmem:$0x18400] =	vst v63  }
0x6c: {  	_ = 	snop  }
0x6d: {  	[spmem:s4] =	stream.indirect.scatter.add.f32 [tilespmem:s24], [sflag:$0x3], $0x80, s3, s21, $0xb8;
	[tilespmem:$0x18400] =	vst v63  }
0x6e: {  	_ =	swait.ge [sflag:s20], $0x2000  }
0x6f: {  	[sflag:s20] =	ssyncset.done $0x0  }
0x70: {  	[sflag:s20] =	ssyncadd.s32 $0xFFFFE000  }
0x71: {  	_ =	swait.ge [sflag:s22], $0x2000  }
0x72: {  	[sflag:s22] =	ssyncset.done $0x0  }
0x73: {  	[sflag:s22] =	ssyncadd.s32 $0xFFFFE000  }
0x74: {  	[tilespmem:s24], [sflag:$0x2] =	stream.indirect.gather [hbm4b:s0+s21], $0x80, s1, s21, $0xb8;
	[tilespmem:$0x18400] =	vst v63  }
0x75: {  	_ = 	snop  }
0x76: {  	[spmem:s4] =	stream.indirect.scatter.add.f32 [tilespmem:s19], [sflag:$0x3], $0x80, s7, s21, $0xb8;
	[tilespmem:$0x18400] =	vst v63  }
0x77: {  	_ =	swait.ge [sflag:s20], $0x2000  }
0x78: {  	[sflag:s20] =	ssyncset.done $0x0  }
0x79: {  	[sflag:s20] =	ssyncadd.s32 $0xFFFFE000  }
0x7a: {  	_ =	swait.ge [sflag:s26], $0x2000  }
0x7b: {  	[sflag:s26] =	ssyncset.done $0x0  }
0x7c: {  	[sflag:s26] =	ssyncadd.s32 $0xFFFFE000  }
0x7d: {  	[tilespmem:s19], [sflag:$0x1] =	stream.indirect.gather [hbm4b:s0+s21], $0x80, s8, s21, $0xb8;
	[tilespmem:$0x18400] =	vst v63  }
0x7e: {  	_ = 	snop  }
0x7f: {  	[spmem:s4] =	stream.indirect.scatter.add.f32 [tilespmem:s24], [sflag:$0x3], $0x80, s9, s21, $0xb8;
	[tilespmem:$0x18400] =	vst v63  }
0x80: {  	_ =	swait.ge [sflag:s20], $0x2000  }
0x81: {  	[sflag:s20] =	ssyncset.done $0x0  }
0x82: {  	[sflag:s20] =	ssyncadd.s32 $0xFFFFE000  }
0x83: {  	_ =	swait.ge [sflag:s22], $0x2000  }
0x84: {  	[sflag:s22] =	ssyncset.done $0x0  }
0x85: {  	[sflag:s22] =	ssyncadd.s32 $0xFFFFE000  }
0x86: {  	[tilespmem:s24], [sflag:$0x2] =	stream.indirect.gather [hbm4b:s0+s21], $0x80, s10, s21, $0xb8;
	[tilespmem:$0x18400] =	vst v63  }
0x87: {  	_ = 	snop  }
0x88: {  	[spmem:s4] =	stream.indirect.scatter.add.f32 [tilespmem:s19], [sflag:$0x3], $0x80, s11, s21, $0xb8;
	[tilespmem:$0x18400] =	vst v63  }
0x89: {  	_ =	swait.ge [sflag:s20], $0x2000  }
0x8a: {  	[sflag:s20] =	ssyncset.done $0x0  }
0x8b: {  	[sflag:s20] =	ssyncadd.s32 $0xFFFFE000  }
0x8c: {  	_ =	swait.ge [sflag:s26], $0x2000  }
0x8d: {  	[sflag:s26] =	ssyncset.done $0x0  }
0x8e: {  	[sflag:s26] =	ssyncadd.s32 $0xFFFFE000  }
0x8f: {  	[spmem:s4] =	stream.indirect.scatter.add.f32 [tilespmem:s24], [sflag:$0x3], $0x80, s12, s21, $0xb8;
	[tilespmem:$0x18400] =	vst v63  }
0x90: {  	_ =	swait.ge [sflag:s20], $0x2000  }
0x91: {  	s14 =	simm.s32 $0x100;
	s15 =	simm.s32 $0x200;
	[sflag:s20] =	ssyncset.done $0x0  }
.LBB2_2:
0x92: {  	s17 =	sadd.s32 s14, s18  }
0x93: {  	[sflag:s20] =	ssyncadd.s32 $0xFFFFE000;
	s14 =	smov.u32 s15;
	s16 =	sadd.s32 $0x100, s15  }
0x94: {  	[tilespmem:s5], [sflag:$0x3] =	stream.linear.gather [hbm4b:s17+s5], $0x800, $0x38;
	[tilespmem:$0x18400] =	vst v63  }
0x95: {  	p0 =	sne.s32 s15, $0x1300;
	_ =	swait.ge [sflag:s20], $0x800  }
0x96: {  	[sflag:s20] =	ssyncset.done $0x0  }
0x97: {  	[sflag:s20] =	ssyncadd.s32 $0xFFFFF800  }
0x98: {  	[tilespmem:s19], [sflag:$0x1] =	stream.indirect.gather [hbm4b:s0+s21], $0x80, s5, s21, $0xb8;
	[tilespmem:$0x18400] =	vst v63  }
0x99: {  	_ =	swait.ge [sflag:s22], $0x2000  }
0x9a: {  	[sflag:s22] =	ssyncset.done $0x0  }
0x9b: {  	[sflag:s22] =	ssyncadd.s32 $0xFFFFE000  }
0x9c: {  	[tilespmem:s24], [sflag:$0x2] =	stream.indirect.gather [hbm4b:s0+s21], $0x80, s23, s21, $0xb8;
	[tilespmem:$0x18400] =	vst v63  }
0x9d: {  	_ = 	snop  }
0x9e: {  	[spmem:s4] =	stream.indirect.scatter.add.f32 [tilespmem:s19], [sflag:$0x3], $0x80, s25, s21, $0xb8;
	[tilespmem:$0x18400] =	vst v63  }
0x9f: {  	_ =	swait.ge [sflag:s20], $0x2000  }
0xa0: {  	[sflag:s20] =	ssyncset.done $0x0  }
0xa1: {  	[sflag:s20] =	ssyncadd.s32 $0xFFFFE000  }
0xa2: {  	_ =	swait.ge [sflag:s26], $0x2000  }
0xa3: {  	[sflag:s26] =	ssyncset.done $0x0  }
0xa4: {  	[sflag:s26] =	ssyncadd.s32 $0xFFFFE000  }
0xa5: {  	[tilespmem:s19], [sflag:$0x1] =	stream.indirect.gather [hbm4b:s0+s21], $0x80, s28, s21, $0xb8;
	[tilespmem:$0x18400] =	vst v63  }
0xa6: {  	_ = 	snop  }
0xa7: {  	[spmem:s4] =	stream.indirect.scatter.add.f32 [tilespmem:s24], [sflag:$0x3], $0x80, s29, s21, $0xb8;
	[tilespmem:$0x18400] =	vst v63  }
0xa8: {  	_ =	swait.ge [sflag:s20], $0x2000  }
0xa9: {  	[sflag:s20] =	ssyncset.done $0x0  }
0xaa: {  	[sflag:s20] =	ssyncadd.s32 $0xFFFFE000  }
0xab: {  	_ =	swait.ge [sflag:s22], $0x2000  }
0xac: {  	[sflag:s22] =	ssyncset.done $0x0  }
0xad: {  	[sflag:s22] =	ssyncadd.s32 $0xFFFFE000  }
0xae: {  	[tilespmem:s24], [sflag:$0x2] =	stream.indirect.gather [hbm4b:s0+s21], $0x80, s30, s21, $0xb8;
	[tilespmem:$0x18400] =	vst v63  }
0xaf: {  	_ = 	snop  }
0xb0: {  	[spmem:s4] =	stream.indirect.scatter.add.f32 [tilespmem:s19], [sflag:$0x3], $0x80, s31, s21, $0xb8;
	[tilespmem:$0x18400] =	vst v63  }
0xb1: {  	_ =	swait.ge [sflag:s20], $0x2000  }
0xb2: {  	[sflag:s20] =	ssyncset.done $0x0  }
0xb3: {  	[sflag:s20] =	ssyncadd.s32 $0xFFFFE000  }
0xb4: {  	_ =	swait.ge [sflag:s26], $0x2000  }
0xb5: {  	[sflag:s26] =	ssyncset.done $0x0  }
0xb6: {  	[sflag:s26] =	ssyncadd.s32 $0xFFFFE000  }
0xb7: {  	[tilespmem:s19], [sflag:$0x1] =	stream.indirect.gather [hbm4b:s0+s21], $0x80, s2, s21, $0xb8;
	[tilespmem:$0x18400] =	vst v63  }
0xb8: {  	_ = 	snop  }
0xb9: {  	[spmem:s4] =	stream.indirect.scatter.add.f32 [tilespmem:s24], [sflag:$0x3], $0x80, s3, s21, $0xb8;
	[tilespmem:$0x18400] =	vst v63  }
0xba: {  	_ =	swait.ge [sflag:s20], $0x2000  }
0xbb: {  	[sflag:s20] =	ssyncset.done $0x0  }
0xbc: {  	[sflag:s20] =	ssyncadd.s32 $0xFFFFE000  }
0xbd: {  	_ =	swait.ge [sflag:s22], $0x2000  }
0xbe: {  	[sflag:s22] =	ssyncset.done $0x0  }
0xbf: {  	[sflag:s22] =	ssyncadd.s32 $0xFFFFE000  }
0xc0: {  	[tilespmem:s24], [sflag:$0x2] =	stream.indirect.gather [hbm4b:s0+s21], $0x80, s1, s21, $0xb8;
	[tilespmem:$0x18400] =	vst v63  }
0xc1: {  	_ = 	snop  }
0xc2: {  	[spmem:s4] =	stream.indirect.scatter.add.f32 [tilespmem:s19], [sflag:$0x3], $0x80, s7, s21, $0xb8;
	[tilespmem:$0x18400] =	vst v63  }
0xc3: {  	_ =	swait.ge [sflag:s20], $0x2000  }
0xc4: {  	[sflag:s20] =	ssyncset.done $0x0  }
0xc5: {  	[sflag:s20] =	ssyncadd.s32 $0xFFFFE000  }
0xc6: {  	_ =	swait.ge [sflag:s26], $0x2000  }
0xc7: {  	[sflag:s26] =	ssyncset.done $0x0  }
0xc8: {  	[sflag:s26] =	ssyncadd.s32 $0xFFFFE000  }
0xc9: {  	[tilespmem:s19], [sflag:$0x1] =	stream.indirect.gather [hbm4b:s0+s21], $0x80, s8, s21, $0xb8;
	[tilespmem:$0x18400] =	vst v63  }
0xca: {  	_ = 	snop  }
0xcb: {  	[spmem:s4] =	stream.indirect.scatter.add.f32 [tilespmem:s24], [sflag:$0x3], $0x80, s9, s21, $0xb8;
	[tilespmem:$0x18400] =	vst v63  }
0xcc: {  	_ =	swait.ge [sflag:s20], $0x2000  }
0xcd: {  	[sflag:s20] =	ssyncset.done $0x0  }
0xce: {  	[sflag:s20] =	ssyncadd.s32 $0xFFFFE000  }
0xcf: {  	_ =	swait.ge [sflag:s22], $0x2000  }
0xd0: {  	[sflag:s22] =	ssyncset.done $0x0  }
0xd1: {  	[sflag:s22] =	ssyncadd.s32 $0xFFFFE000  }
0xd2: {  	[tilespmem:s24], [sflag:$0x2] =	stream.indirect.gather [hbm4b:s0+s21], $0x80, s10, s21, $0xb8;
	[tilespmem:$0x18400] =	vst v63  }
0xd3: {  	_ = 	snop  }
0xd4: {  	[spmem:s4] =	stream.indirect.scatter.add.f32 [tilespmem:s19], [sflag:$0x3], $0x80, s11, s21, $0xb8;
	[tilespmem:$0x18400] =	vst v63  }
0xd5: {  	_ =	swait.ge [sflag:s20], $0x2000  }
0xd6: {  	[sflag:s20] =	ssyncset.done $0x0  }
0xd7: {  	[sflag:s20] =	ssyncadd.s32 $0xFFFFE000  }
0xd8: {  	_ =	swait.ge [sflag:s26], $0x2000  }
.Ltmp0:
0xd9: {  	[sflag:s26] =	ssyncset.done $0x0;
	(pc) =	sbr.rel @p0 .LBB2_2-.Ltmp0, $4  }
0xda: {  	[sflag:s26] =	ssyncadd.s32 $0xFFFFE000  }
0xdb: {  	[spmem:s4] =	stream.indirect.scatter.add.f32 [tilespmem:s24], [sflag:$0x3], $0x80, s12, s21, $0xb8;
	[tilespmem:$0x18400] =	vst v63  }
0xdc: {  	_ =	swait.ge [sflag:s20], $0x2000  }
0xdd: {  	s15 =	smov.u32 s16;
	[sflag:s20] =	ssyncset.done $0x0  }
0xde: {  	s14 =	sadd.s32 s14, s18;
	[sflag:s20] =	ssyncadd.s32 $0xFFFFE000  }
0xdf: {  	[tilespmem:s5], [sflag:$0x3] =	stream.linear.gather [hbm4b:s14+s5], $0x800, $0x38;
	[tilespmem:$0x18400] =	vst v63  }
0xe0: {  	_ =	swait.ge [sflag:s20], $0x800  }
0xe1: {  	[sflag:s20] =	ssyncset.done $0x0  }
0xe2: {  	[sflag:s20] =	ssyncadd.s32 $0xFFFFF800  }
0xe3: {  	[tilespmem:s19], [sflag:$0x1] =	stream.indirect.gather [hbm4b:s0+s21], $0x80, s5, s21, $0xb8;
	[tilespmem:$0x18400] =	vst v63  }
0xe4: {  	_ =	swait.ge [sflag:s22], $0x2000  }
0xe5: {  	[sflag:s22] =	ssyncset.done $0x0  }
0xe6: {  	[sflag:s22] =	ssyncadd.s32 $0xFFFFE000  }
0xe7: {  	[tilespmem:s24], [sflag:$0x2] =	stream.indirect.gather [hbm4b:s0+s21], $0x80, s23, s21, $0xb8;
	[tilespmem:$0x18400] =	vst v63  }
0xe8: {  	_ = 	snop  }
0xe9: {  	[spmem:s4] =	stream.indirect.scatter.add.f32 [tilespmem:s19], [sflag:$0x3], $0x80, s25, s21, $0xb8;
	[tilespmem:$0x18400] =	vst v63  }
0xea: {  	_ =	swait.ge [sflag:s20], $0x2000  }
0xeb: {  	[sflag:s20] =	ssyncset.done $0x0  }
0xec: {  	[sflag:s20] =	ssyncadd.s32 $0xFFFFE000  }
0xed: {  	_ =	swait.ge [sflag:s26], $0x2000  }
0xee: {  	[sflag:s26] =	ssyncset.done $0x0  }
0xef: {  	[sflag:s26] =	ssyncadd.s32 $0xFFFFE000  }
0xf0: {  	[tilespmem:s19], [sflag:$0x1] =	stream.indirect.gather [hbm4b:s0+s21], $0x80, s28, s21, $0xb8;
	[tilespmem:$0x18400] =	vst v63  }
0xf1: {  	_ = 	snop  }
0xf2: {  	[spmem:s4] =	stream.indirect.scatter.add.f32 [tilespmem:s24], [sflag:$0x3], $0x80, s29, s21, $0xb8;
	[tilespmem:$0x18400] =	vst v63  }
0xf3: {  	_ =	swait.ge [sflag:s20], $0x2000  }
0xf4: {  	[sflag:s20] =	ssyncset.done $0x0  }
0xf5: {  	[sflag:s20] =	ssyncadd.s32 $0xFFFFE000  }
0xf6: {  	_ =	swait.ge [sflag:s22], $0x2000  }
0xf7: {  	[sflag:s22] =	ssyncset.done $0x0  }
0xf8: {  	[sflag:s22] =	ssyncadd.s32 $0xFFFFE000  }
0xf9: {  	[tilespmem:s24], [sflag:$0x2] =	stream.indirect.gather [hbm4b:s0+s21], $0x80, s30, s21, $0xb8;
	[tilespmem:$0x18400] =	vst v63  }
0xfa: {  	_ = 	snop  }
0xfb: {  	[spmem:s4] =	stream.indirect.scatter.add.f32 [tilespmem:s19], [sflag:$0x3], $0x80, s31, s21, $0xb8;
	[tilespmem:$0x18400] =	vst v63  }
0xfc: {  	_ =	swait.ge [sflag:s20], $0x2000  }
0xfd: {  	[sflag:s20] =	ssyncset.done $0x0  }
0xfe: {  	[sflag:s20] =	ssyncadd.s32 $0xFFFFE000  }
0xff: {  	_ =	swait.ge [sflag:s26], $0x2000  }
0x100: {  	[sflag:s26] =	ssyncset.done $0x0  }
0x101: {  	[sflag:s26] =	ssyncadd.s32 $0xFFFFE000  }
0x102: {  	[tilespmem:s19], [sflag:$0x1] =	stream.indirect.gather [hbm4b:s0+s21], $0x80, s2, s21, $0xb8;
	[tilespmem:$0x18400] =	vst v63  }
0x103: {  	_ = 	snop  }
0x104: {  	[spmem:s4] =	stream.indirect.scatter.add.f32 [tilespmem:s24], [sflag:$0x3], $0x80, s3, s21, $0xb8;
	[tilespmem:$0x18400] =	vst v63  }
0x105: {  	_ =	swait.ge [sflag:s20], $0x2000  }
0x106: {  	[sflag:s20] =	ssyncset.done $0x0  }
0x107: {  	[sflag:s20] =	ssyncadd.s32 $0xFFFFE000  }
0x108: {  	_ =	swait.ge [sflag:s22], $0x2000  }
0x109: {  	[sflag:s22] =	ssyncset.done $0x0  }
0x10a: {  	[sflag:s22] =	ssyncadd.s32 $0xFFFFE000  }
0x10b: {  	[tilespmem:s24], [sflag:$0x2] =	stream.indirect.gather [hbm4b:s0+s21], $0x80, s1, s21, $0xb8;
	[tilespmem:$0x18400] =	vst v63  }
0x10c: {  	_ = 	snop  }
0x10d: {  	[spmem:s4] =	stream.indirect.scatter.add.f32 [tilespmem:s19], [sflag:$0x3], $0x80, s7, s21, $0xb8;
	[tilespmem:$0x18400] =	vst v63  }
0x10e: {  	_ =	swait.ge [sflag:s20], $0x2000  }
0x10f: {  	[sflag:s20] =	ssyncset.done $0x0  }
0x110: {  	[sflag:s20] =	ssyncadd.s32 $0xFFFFE000  }
0x111: {  	_ =	swait.ge [sflag:s26], $0x2000  }
0x112: {  	[sflag:s26] =	ssyncset.done $0x0  }
0x113: {  	[sflag:s26] =	ssyncadd.s32 $0xFFFFE000  }
0x114: {  	[tilespmem:s19], [sflag:$0x1] =	stream.indirect.gather [hbm4b:s0+s21], $0x80, s8, s21, $0xb8;
	[tilespmem:$0x18400] =	vst v63  }
0x115: {  	_ = 	snop  }
0x116: {  	[spmem:s4] =	stream.indirect.scatter.add.f32 [tilespmem:s24], [sflag:$0x3], $0x80, s9, s21, $0xb8;
	[tilespmem:$0x18400] =	vst v63  }
0x117: {  	_ =	swait.ge [sflag:s20], $0x2000  }
0x118: {  	[sflag:s20] =	ssyncset.done $0x0  }
0x119: {  	[sflag:s20] =	ssyncadd.s32 $0xFFFFE000  }
0x11a: {  	_ =	swait.ge [sflag:s22], $0x2000  }
0x11b: {  	[sflag:s22] =	ssyncset.done $0x0  }
0x11c: {  	[sflag:s22] =	ssyncadd.s32 $0xFFFFE000  }
0x11d: {  	[tilespmem:s24], [sflag:$0x2] =	stream.indirect.gather [hbm4b:s0+s21], $0x80, s10, s21, $0xb8;
	[tilespmem:$0x18400] =	vst v63  }
0x11e: {  	_ = 	snop  }
0x11f: {  	[spmem:s4] =	stream.indirect.scatter.add.f32 [tilespmem:s19], [sflag:$0x3], $0x80, s11, s21, $0xb8;
	[tilespmem:$0x18400] =	vst v63  }
0x120: {  	_ =	swait.ge [sflag:s20], $0x2000  }
0x121: {  	[sflag:s20] =	ssyncset.done $0x0  }
0x122: {  	[sflag:s20] =	ssyncadd.s32 $0xFFFFE000  }
0x123: {  	_ =	swait.ge [sflag:s26], $0x2000  }
0x124: {  	[sflag:s26] =	ssyncset.done $0x0  }
0x125: {  	[sflag:s26] =	ssyncadd.s32 $0xFFFFE000  }
0x126: {  	[spmem:s4] =	stream.indirect.scatter.add.f32 [tilespmem:s24], [sflag:$0x3], $0x80, s12, s21, $0xb8;
	[tilespmem:$0x18400] =	vst v63  }
0x127: {  	_ =	swait.ge [sflag:s20], $0x2000  }
0x128: {  	[sflag:s20] =	ssyncset.done $0x0  }
0x129: {  	s16 =	stileid.u32;
	[sflag:s20] =	ssyncadd.s32 $0xFFFFE000  }
0x12a: {  	s14 =	sshll.u32 s16, $0x6;
	[bflag:$0x0] =	sbarrier.arrive $0xFFFF  }
0x12b: {  	s15 =	sshrl.u32 s6, $0x3;
	s14 =	sor.u32 $0x1C03, s14;
	s16 =	rddreg [dreg:$0xe]  }
0x12c: {  	[hbm:s16], [sflag:s14] =	dma.local [spmem:s15], $0x2780  }
0x12d: {  	_ =	swait.ge [sflag:s20], $0x2780  }
0x12e: {  	s13 =	sadd.s32 $0x1, s13;
	s17 =	rddreg [dreg:$0xf]  }
0x12f: {  	p0 =	sne.s32 s13, s17  }
.Ltmp1:
0x130: {  	_ = 	snop;
	(pc) =	sbr.rel @p0 .LBB2_1-.Ltmp1, $3  }
0x131: {  	_ =	sdelay $0x1  }
0x132: {  	[sflag:s20] =	ssyncset.done $0x0  }
0x133: {  	[sflag:s20] =	ssyncadd.s32 $0xFFFFD880  }
0x134: {  	_ =	sfence.sel $0x180000  }
0x135: {  	[bflag:$0x0] =	sbarrier.arrive $0xFFFF  }
0x136: {  	_ =	strace $0x9000004A  }
0x137: {  	s0 =	stileid.u32;
	[bflag:$0x2] =	sbarrier.arrive $0xFFFF  }
0x138: {  	p0 =	sne.s32 s0, $0x0;
	s0 =	rddreg [dreg:$0x4]  }
0x139: {  	s0 =	sadd.s32 @!p0 $0x100000, s0  }
0x13a: {  	[sflag:s0] =	ssyncadd.tile.s32 @!p0 $0x1;
	_ =	shalt  }
.Lfunc_end2:
_tile_overlayer_lowered:
.L_overlay_start_2:
0x13b: {  	(tag) =	ssettag $0x2  }
0x13c: {  	s0 =	rddreg [dreg:$0x0];
	s2 =	stileid.u32  }
0x13d: {  	s1 =	rddreg [dreg:$0x1];
	p0 =	sne.s32 s2, $0x0  }
0x13e: {  	s3 =	rddreg [dreg:$0x2];
	[bflag:$0x3] =	sbarrier.arrive $0xFFFF;
	s2 =	simm.s32 @!p0 $0x1C03  }
0x13f: {  	[timem:s3], [sflag:s2] =	dma.local @!p0 [hbm:s0], s1  }
0x140: {  	s0 =	simm.s32 @!p0 $0x3  }
0x141: {  	_ =	swait.ge @!p0 [sflag:s0], s1  }
0x142: {  	s1 =	ssub.s32 @!p0 $0x0, s1;
	[sflag:s0] =	ssyncset.done @!p0 $0x0  }
0x143: {  	[sflag:s0] =	ssyncadd.s32 @!p0 s1  }
0x144: {  	[bflag:$0x3] =	sbarrier.arrive $0xFFFF  }
0x145: {  	_ =	shalt  }

// kernel: kernel.8.cloned.1.call-start
scs
__scs_entry_jumppad:
0x0: {  	(pc) =	sbr.rel $0x88, $3  }
0x1: {  	(tag) =	ssettag $0x0;
	lr =	simm.s32 $0x1  }
0x2: {  	[smem:$0x3F9D] =	sst lr;
	_ =	strace $0xD0000000  }
0x3: {  	_ = 	snop  }
0x4: {  	_ = 	snop  }
0x5: {  	_ = 	snop  }
0x6: {  	_ = 	snop  }
0x7: {  	_ = 	snop  }
__scs_overlays_trampoline_lowered:
0x8: {  	[smem:$0x3FAC] =	sst s0  }
0x9: {  	[smem:$0x3FAD] =	sst s1  }
0xa: {  	[smem:$0x3FAE] =	sst s2  }
0xb: {  	[smem:$0x3FAF] =	sst s3  }
0xc: {  	[smem:$0x3FB0] =	sst s4  }
0xd: {  	[smem:$0x3FB1] =	sst s5  }
0xe: {  	[smem:$0x3FB2] =	sst s6  }
0xf: {  	[smem:$0x3FB3] =	sst s7  }
0x10: {  	[smem:$0x3FB4] =	sst s8  }
0x11: {  	[smem:$0x3FB5] =	sst s9;
	s0 =	simm.s32 @!p0 $0x0  }
0x12: {  	s1 =	sld [smem:$0x3F9B];
	s0 =	simm.s32 @p0 $0x1  }
0x13: {  	[smem:$0x3FB6] =	sst s0;
	s0 =	simm.s32 @!p1 $0x0  }
0x14: {  	s2 =	sld [smem:$0x3F9A];
	s0 =	simm.s32 @p1 $0x1  }
0x15: {  	[smem:$0x3FB7] =	sst s0;
	s0 =	simm.s32 @!p2 $0x0  }
0x16: {  	s3 =	sld [smem:$0x3FDB];
	s0 =	simm.s32 @p2 $0x1  }
0x17: {  	s4 =	simm.s32 $0x1BF5;
	[smem:$0x3FB9] =	sst s0  }
0x18: {  	s0 =	sld [smem:$0x3F9C];
	_ =	swait.ge [sflag:s4], $0x0  }
0x19: {  	s7 =	sld [smem:$0x3F9D]  }
0x1a: {  	s8 =	sadd.s32 $0xFFFFE003, lr  }
0x1b: {  	s9 =	sadd.s32 $0xFFFFFEF7, lr;
	s5 =	simm.s32 $0xFFFFFFFF;
	p2 =	slt.u32 s8, $0xFFFFF086  }
0x1c: {  	p1 =	slt.u32 s9, $0xF7A;
	s5 =	simm.s32 @!p2 $0x0  }
0x1d: {  	s5 =	simm.s32 @p1 $0x1;
	p0 =	seq.s32 s7, s2  }
0x1e: {  	s7 =	smul.u32 @!p0 $0xF7A, s2;
	p2 =	seq.s32 @!p0 s5, $0x0  }
0x1f: {  	s9 =	smul.u32 $0xF7A, s1;
	s8 =	simm.s32 @!p0 $0x1BF5;
	p2 =	por !p2, p0  }
0x20: {  	[sflag:s8] =	ssyncset.s32 @!p0 $0xFFFFF086;
	s6 =	sadd.s32 @!p0 s3, s7;
	s7 =	simm.s32 @!p0 $0x108  }
0x21: {  	s3 =	sadd.s32 s3, s9;
	s6 =	sadd.s32 @!p0 $0x88, s6;
	s7 =	simm.s32 @p2 $0x1082  }
0x22: {  	[simem:s7], [sflag:s8] =	dma.local @!p0 [hbm:s6], $0xF7A  }
0x23: {  	s9 =	sor.u32 $0xD0000000, s2;
	s6 =	simm.s32 $0x108;
	_ =	swait.ge @!p0 [sflag:s8], $0x0  }
0x24: {  	s3 =	sadd.s32 $0x88, s3;
	s6 =	simm.s32 @!p1 $0x1082;
	[sflag:s4] =	ssyncset.s32 $0xFFFFF086  }
0x25: {  	[simem:s6], [sflag:s4] =	dma.local [hbm:s3], $0xF7A  }
0x26: {  	[smem:$0x3F9D] =	sst s1;
	(tag) =	ssettag s2;
	_ =	strace s9  }
0x27: {  	s1 =	sld [smem:$0x3FAD]  }
0x28: {  	s2 =	sld [smem:$0x3FAE]  }
0x29: {  	s4 =	sld [smem:$0x3FB0]  }
0x2a: {  	p0 =	seq.s32 s5, $0x0;
	s5 =	sld [smem:$0x3FB1]  }
0x2b: {  	s6 =	sld [smem:$0x3FB2]  }
0x2c: {  	s7 =	sld [smem:$0x3FB3]  }
0x2d: {  	s3 =	simm.s32 $0x108;
	s8 =	sld [smem:$0x3FB4]  }
0x2e: {  	s3 =	simm.s32 @!p0 $0x1082;
	s9 =	sld [smem:$0x3FB5]  }
0x2f: {  	lr =	sadd.s32 s0, s3;
	s0 =	sld [smem:$0x3FAC]  }
0x30: {  	s3 =	sld [smem:$0x3FAF]  }
0x31: {  	[smem:$0x3FB8] =	sst s10  }
0x32: {  	s10 =	sld [smem:$0x3FB6];
	_ =	sdelay $0x3  }
0x33: {  	p0 =	seq.s32 s10, $0x1;
	s10 =	sld [smem:$0x3FB8];
	_ =	sdelay $0x3  }
0x34: {  	[smem:$0x3FB8] =	sst s10  }
0x35: {  	s10 =	sld [smem:$0x3FB7];
	_ =	sdelay $0x3  }
0x36: {  	p1 =	seq.s32 s10, $0x1;
	s10 =	sld [smem:$0x3FB8];
	_ =	sdelay $0x3  }
0x37: {  	[smem:$0x3FB8] =	sst s10  }
0x38: {  	s10 =	sld [smem:$0x3FB9]  }
0x39: {  	_ = 	snop;
	(pc) =	sbr.ind lr, $3  }
0x3a: {  	_ = 	snop  }
0x3b: {  	_ = 	snop  }
0x3c: {  	p2 =	seq.s32 s10, $0x1;
	s10 =	sld [smem:$0x3FB8]  }
0x3d: {  	_ =	shalt  }
0x3e: {  	_ =	shalt  }
0x3f: {  	_ =	shalt  }
0x40: {  	_ =	shalt  }
0x41: {  	_ =	shalt  }
0x42: {  	_ =	shalt  }
0x43: {  	_ =	shalt  }
0x44: {  	_ =	shalt  }
0x45: {  	_ =	shalt  }
0x46: {  	_ =	shalt  }
0x47: {  	_ =	shalt  }
0x48: {  	_ =	shalt  }
0x49: {  	_ =	shalt  }
0x4a: {  	_ =	shalt  }
0x4b: {  	_ =	shalt  }
0x4c: {  	_ =	shalt  }
0x4d: {  	_ =	shalt  }
0x4e: {  	_ =	shalt  }
0x4f: {  	_ =	shalt  }
0x50: {  	_ =	shalt  }
0x51: {  	_ =	shalt  }
0x52: {  	_ =	shalt  }
0x53: {  	_ =	shalt  }
0x54: {  	_ =	shalt  }
0x55: {  	_ =	shalt  }
0x56: {  	_ =	shalt  }
0x57: {  	_ =	shalt  }
0x58: {  	_ =	shalt  }
0x59: {  	_ =	shalt  }
0x5a: {  	_ =	shalt  }
0x5b: {  	_ =	shalt  }
0x5c: {  	_ =	shalt  }
0x5d: {  	_ =	shalt  }
0x5e: {  	_ =	shalt  }
0x5f: {  	_ =	shalt  }
0x60: {  	_ =	shalt  }
0x61: {  	_ =	shalt  }
0x62: {  	_ =	shalt  }
0x63: {  	_ =	shalt  }
0x64: {  	_ =	shalt  }
0x65: {  	_ =	shalt  }
0x66: {  	_ =	shalt  }
0x67: {  	_ =	shalt  }
0x68: {  	_ =	shalt  }
0x69: {  	_ =	shalt  }
0x6a: {  	_ =	shalt  }
0x6b: {  	_ =	shalt  }
0x6c: {  	_ =	shalt  }
0x6d: {  	_ =	shalt  }
0x6e: {  	_ =	shalt  }
0x6f: {  	_ =	shalt  }
0x70: {  	_ =	shalt  }
0x71: {  	_ =	shalt  }
0x72: {  	_ =	shalt  }
0x73: {  	_ =	shalt  }
0x74: {  	_ =	shalt  }
0x75: {  	_ =	shalt  }
0x76: {  	_ =	shalt  }
0x77: {  	_ =	shalt  }
0x78: {  	_ =	shalt  }
0x79: {  	_ =	shalt  }
0x7a: {  	_ =	shalt  }
0x7b: {  	_ =	shalt  }
0x7c: {  	_ =	shalt  }
0x7d: {  	_ =	shalt  }
0x7e: {  	_ =	shalt  }
0x7f: {  	_ =	shalt  }
0x80: {  	_ =	shalt  }
0x81: {  	_ =	shalt  }
0x82: {  	_ =	shalt  }
0x83: {  	_ =	shalt  }
0x84: {  	_ =	shalt  }
0x85: {  	_ =	shalt  }
0x86: {  	_ =	shalt  }
0x87: {  	_ =	shalt  }
.Lfunc_end0:
.L_simem_size_0:
called_computation.1_lowered:
.L_overlay_start_0:
0x88: {  	s2 =	sld [smem:$0x3FD9]  }
0x89: {  	s3 =	sld [smem:$0x3FFE];
	_ =	sdelay $0x1  }
0x8a: {  	s1 =	srdreg.scid  }
0x8b: {  	s0 =	sand.u32 $0x1, s1  }
0x8c: {  	s17 =	sshll.u32 s0, $0xA;
	s2 =	sadd.s32 s3, s2  }
0x8d: {  	s2 =	sadd.s32 s2, s17  }
0x8e: {  	[smem:$0x3FC4] =	sst s2  }
0x8f: {  	_ = 	snop  }
0x90: {  	s2 =	sld [smem:$0x3FD0];
	(tm) =	ssettm $0x1  }
0x91: {  	s18 =	sld [smem:$0x3FFB];
	_ =	sdelay $0x3  }
0x92: {  	_ =	strace s18  }
0x93: {  	s3 =	sld [smem:$0x3FFC];
	_ =	sdelay $0x3  }
0x94: {  	_ =	strace s3  }
0x95: {  	s3 =	sld [smem:$0x3FFD];
	_ =	sdelay $0x3  }
0x96: {  	_ =	strace s3  }
0x97: {  	_ =	strace $0x8FFFFFFF  }
0x98: {  	s19 =	sld [smem:$0x3FDB];
	_ =	sdelay $0x1  }
0x99: {  	s4 =	simm.s32 $_scs_section_size  }
0x9a: {  	s5 =	simm.s32 $_size__tile_overlayer_lowered;
	s6 =	simm.s32 $_tile_overlayer_lowered  }
0x9b: {  	s22 =	simm.s32 $0x1BFF;
	s21 =	sshll.u32 s6, $0x1;
	s3 =	sadd.s32 s4, s19  }
0x9c: {  	s7 =	simm.s32 $0x0;
	s20 =	sshll.u32 s5, $0x1;
	s5 =	sadd.s32 s21, s3  }
0x9d: {  	[timem:s7], [sflag:s22] =	dma.local [hbm:s5], s20  }
0x9e: {  	_ =	swait.ge [sflag:s22], s20  }
0x9f: {  	s4 =	ssub.s32 $0x0, s20;
	[sflag:s22] =	ssyncset.done $0x0  }
0xa0: {  	[sflag:s22] =	ssyncadd.s32 s4;
	_ =	sdelay $0x1  }
0xa1: {  	s23 =	simm.s32 $0x1B8B  }
0xa2: {  	_ =	swait.ge [sflag:s23], $0x1  }
0xa3: {  	[sflag:s23] =	ssyncset.done $0x0  }
0xa4: {  	s25 =	simm.s32 $0x1B8E;
	s24 =	sld [smem:$0x3FFE];
	[sflag:s23] =	ssyncadd.s32 $0xFFFFFFFF  }
0xa5: {  	s26 =	simm.s32 $execute0_lowered;
	[smem:$0x3FD2] =	sst s25  }
0xa6: {  	s5 =	sshll.u32 s26, $0x1;
	_ =	strace $0x80000046;
	[dreg:$0x1] =	wrdreg $0xFFFFFFFF  }
0xa7: {  	s28 =	simm.s32 $_size_execute0_lowered;
	s3 =	sadd.s32 s3, s5;
	[dreg:$0x0] =	wrdreg $0x0  }
0xa8: {  	s5 =	sshll.u32 s28, $0x1;
	[dreg:$0x2] =	wrdreg s3  }
0xa9: {  	[dreg:$0x3] =	wrdreg s5  }
0xaa: {  	[dreg:$0x4] =	wrdreg $0xC0  }
0xab: {  	_ =	task [dreg:s7], $0x5FFFF  }
0xac: {  	[dreg:$0x1] =	wrdreg $0xFFFFFFFF  }
0xad: {  	[dreg:$0x0] =	wrdreg $0x60  }
0xae: {  	[dreg:$0x2] =	wrdreg s24  }
0xaf: {  	[dreg:$0x3] =	wrdreg s2  }
0xb0: {  	[dreg:$0x4] =	wrdreg $0x28000  }
0xb1: {  	[dreg:$0x5] =	wrdreg $0xA  }
0xb2: {  	_ =	task.clear_ibuf [dreg:s7], $0x6FFFF;
	_ =	strace $0x90000046  }
0xb3: {  	s29 =	simm.s32 $0xA;
	_ =	strace $0x80000048  }
0xb4: {  	_ =	swait.ge [sflag:s29], $0x1  }
0xb5: {  	[sflag:s29] =	ssyncadd.s32 $0xFFFFFFFF  }
0xb6: {  	_ =	strace $0x90000048  }
0xb7: {  	_ =	sfence  }
0xb8: {  	s30 =	sld [smem:$0x0];
	_ =	sdelay $0x2  }
0xb9: {  	s31 =	sshll.u32 s1, $0xD;
	s1 =	sshrl.u32 s1, $0x2  }
0xba: {  	s3 =	sand.u32 $0x4000, s31;
	s1 =	sadd.s32 s1, s30  }
0xbb: {  	s0 =	sor.u32 s3, s0;
	s1 =	sshll.u32 s1, $0x11  }
0xbc: {  	s0 =	sor.u32 s1, s0  }
0xbd: {  	s0 =	sadd.s32 $0x8F2B, s0  }
0xbe: {  	[sflag:s0] =	ssyncadd.remote.s32 $0x1  }
0xbf: {  	_ =	sfence.sel $0xFFFF  }
0xc0: {  	[dreg:$0x0] =	wrdreg $0xFFFFFFFF;
	(pc) =	sbr.abs _section_cstart, $3  }
0xc1: {  	[dreg:$0x1] =	wrdreg $0xFFFFFFFF  }
0xc2: {  	_ =	task.clear_ibuf [dreg:s7], $0x2FFFF;
	_ =	strace $0x9FFFFFFF  }
0xc3: {  	(tm) =	ssettm $0x7FFFFFFF  }
tec
execute0_lowered:
.L_overlay_start_1:
0x0: {  	(tag) =	ssettag $0x1  }
0x1: {  	s0 =	rddreg [dreg:$0x0];
	s1 =	srdreg.scid  }
0x2: {  	s8 =	stileid.u32;
	s3 =	rddreg [dreg:$0x2];
	s4 =	simm.s32 $0x0  }
0x3: {  	s19 =	simm.s32 $0x800;
	s20 =	simm.s32 $0x1;
	s21 =	simm.s32 $0x40  }
0x4: {  	s22 =	simm.s32 $0x400;
	s23 =	simm.s32 $0x480;
	s5 =	smul.u32 $0xA000, s8  }
0x5: {  	s24 =	simm.s32 $0x500;
	s28 =	simm.s32 $0x680;
	s7 =	smul.u32 $0x13C00, s8  }
0x6: {  	s29 =	simm.s32 $0x700;
	s1 =	sand.u32 $0x1, s1;
	s8 =	smul.u32 $0x4F000, s8  }
0x7: {  	s30 =	simm.s32 $0x780;
	s31 =	simm.s32 $0x0;
	s2 =	smul.u32 $0xA0000, s1  }
0x8: {  	[smem:$0x7FF] =	sst s4;
	s25 =	sadd.s32 $0x29000, s0;
	s6 =	smul.u32 $0x13C000, s1  }
0x9: {  	_ =	strace $0x80000047;
	[dreg:$0x4] =	wrdreg s25;
	s1 =	ssub.s32 $0x2, s1  }
0xa: {  	s25 =	simm.s32 $0x580;
	s26 =	sshrl.u32 s1, $0x1;
	s8 =	sshrl.u32 s8, $0x2  }
0xb: {  	s2 =	sadd.s32 s5, s2;
	s6 =	sadd.s32 s7, s6;
	s1 =	ssub.s32 s1, s26  }
0xc: {  	s26 =	simm.s32 $0x600;
	s2 =	sshrl.u32 s2, $0x3;
	s6 =	sshrl.u32 s6, $0x3  }
0xd: {  	s2 =	sadd.s32 s2, s0;
	s0 =	sadd.s32 s6, s0;
	s6 =	sadd.s32 s8, s3  }
0xe: {  	s17 =	smax.u32 s1, $0x1;
	s7 =	sadd.s32 $0x2000, s6;
	s8 =	sadd.s32 $0x4000, s6  }
0xf: {  	s9 =	sadd.s32 $0x6000, s6;
	s10 =	sadd.s32 $0x8000, s6;
	s11 =	sadd.s32 $0xA000, s6  }
0x10: {  	s12 =	sadd.s32 $0xC000, s6;
	s13 =	sadd.s32 $0xE000, s6;
	s14 =	sadd.s32 $0x10000, s6  }
0x11: {  	s15 =	sadd.s32 $0x12000, s6;
	s16 =	sadd.s32 $0x29400, s0;
	s18 =	sadd.s32 $0x1000, s2  }
.LBB2_1:
0x12: {  	s0 =	rddreg [dreg:$0x1]  }
0x13: {  	[tilespmem:s19], [sflag:$0x1] =	stream.linear.gather [hbm4b:s0+s4], $0x2000, $0x38;
	[tilespmem:$0x16400] =	vst v63  }
0x14: {  	_ =	swait.ge [sflag:s20], $0x2000  }
0x15: {  	[sflag:s20] =	ssyncset.done $0x0  }
0x16: {  	[sflag:s20] =	ssyncadd.s32 $0xFFFFE000  }
0x17: {  	[spmem:s6] =	stream.linear.scatter [tilespmem:s19], [sflag:$0x1], $0x2000, $0x38;
	[tilespmem:$0x16400] =	vst v63  }
0x18: {  	_ =	swait.ge [sflag:s20], $0x2000  }
0x19: {  	[sflag:s20] =	ssyncset.done $0x0  }
0x1a: {  	[sflag:s20] =	ssyncadd.s32 $0xFFFFE000  }
0x1b: {  	[spmem:s7] =	stream.linear.scatter [tilespmem:s19], [sflag:$0x1], $0x2000, $0x38;
	[tilespmem:$0x16400] =	vst v63  }
0x1c: {  	_ =	swait.ge [sflag:s20], $0x2000  }
0x1d: {  	[sflag:s20] =	ssyncset.done $0x0  }
0x1e: {  	[sflag:s20] =	ssyncadd.s32 $0xFFFFE000  }
0x1f: {  	[spmem:s8] =	stream.linear.scatter [tilespmem:s19], [sflag:$0x1], $0x2000, $0x38;
	[tilespmem:$0x16400] =	vst v63  }
0x20: {  	_ =	swait.ge [sflag:s20], $0x2000  }
0x21: {  	[sflag:s20] =	ssyncset.done $0x0  }
0x22: {  	[sflag:s20] =	ssyncadd.s32 $0xFFFFE000  }
0x23: {  	[spmem:s9] =	stream.linear.scatter [tilespmem:s19], [sflag:$0x1], $0x2000, $0x38;
	[tilespmem:$0x16400] =	vst v63  }
0x24: {  	_ =	swait.ge [sflag:s20], $0x2000  }
0x25: {  	[sflag:s20] =	ssyncset.done $0x0  }
0x26: {  	[sflag:s20] =	ssyncadd.s32 $0xFFFFE000  }
0x27: {  	[spmem:s10] =	stream.linear.scatter [tilespmem:s19], [sflag:$0x1], $0x2000, $0x38;
	[tilespmem:$0x16400] =	vst v63  }
0x28: {  	_ =	swait.ge [sflag:s20], $0x2000  }
0x29: {  	[sflag:s20] =	ssyncset.done $0x0  }
0x2a: {  	[sflag:s20] =	ssyncadd.s32 $0xFFFFE000  }
0x2b: {  	[spmem:s11] =	stream.linear.scatter [tilespmem:s19], [sflag:$0x1], $0x2000, $0x38;
	[tilespmem:$0x16400] =	vst v63  }
0x2c: {  	_ =	swait.ge [sflag:s20], $0x2000  }
0x2d: {  	[sflag:s20] =	ssyncset.done $0x0  }
0x2e: {  	[sflag:s20] =	ssyncadd.s32 $0xFFFFE000  }
0x2f: {  	[spmem:s12] =	stream.linear.scatter [tilespmem:s19], [sflag:$0x1], $0x2000, $0x38;
	[tilespmem:$0x16400] =	vst v63  }
0x30: {  	_ =	swait.ge [sflag:s20], $0x2000  }
0x31: {  	[sflag:s20] =	ssyncset.done $0x0  }
0x32: {  	[sflag:s20] =	ssyncadd.s32 $0xFFFFE000  }
0x33: {  	[spmem:s13] =	stream.linear.scatter [tilespmem:s19], [sflag:$0x1], $0x2000, $0x38;
	[tilespmem:$0x16400] =	vst v63  }
0x34: {  	_ =	swait.ge [sflag:s20], $0x2000  }
0x35: {  	[sflag:s20] =	ssyncset.done $0x0  }
0x36: {  	[sflag:s20] =	ssyncadd.s32 $0xFFFFE000  }
0x37: {  	[spmem:s14] =	stream.linear.scatter [tilespmem:s19], [sflag:$0x1], $0x2000, $0x38;
	[tilespmem:$0x16400] =	vst v63  }
0x38: {  	_ =	swait.ge [sflag:s20], $0x2000  }
0x39: {  	[sflag:s20] =	ssyncset.done $0x0  }
0x3a: {  	[sflag:s20] =	ssyncadd.s32 $0xFFFFE000  }
0x3b: {  	[spmem:s15] =	stream.linear.scatter [tilespmem:s19], [sflag:$0x1], $0x1C00, $0x38;
	[tilespmem:$0x16400] =	vst v63  }
0x3c: {  	_ =	swait.ge [sflag:s20], $0x1C00  }
0x3d: {  	[sflag:s20] =	ssyncset.done $0x0  }
0x3e: {  	s2 =	rddreg [dreg:$0x4];
	[sflag:s20] =	ssyncadd.s32 $0xFFFFE400  }
0x3f: {  	[tilespmem:s19], [sflag:$0x1] =	stream.linear.gather [hbm4b:s2+s4], $0x2000, $0x38;
	[tilespmem:$0x16400] =	vst v63  }
0x40: {  	_ =	swait.ge [sflag:s20], $0x2000  }
0x41: {  	[sflag:s20] =	ssyncset.done $0x0  }
0x42: {  	[sflag:s20] =	ssyncadd.s32 $0xFFFFE000  }
0x43: {  	s5 =	sadd.s32 $0x0, s18;
	[bflag:$0x0] =	sbarrier.arrive $0xFFFF  }
0x44: {  	[tilespmem:s4], [sflag:$0x1] =	stream.linear.gather [hbm4b:s5+s4], $0x800, $0x38;
	[tilespmem:$0x16400] =	vst v63  }
0x45: {  	_ =	swait.ge [sflag:s20], $0x800  }
0x46: {  	[sflag:s20] =	ssyncset.done $0x0  }
0x47: {  	[sflag:s20] =	ssyncadd.s32 $0xFFFFF800  }
0x48: {  	[spmem:s3] =	stream.indirect.scatter.add.f32 [tilespmem:s19], [sflag:$0x1], $0x80, s22, s21, $0xb8;
	[tilespmem:$0x16400] =	vst v63  }
0x49: {  	_ =	swait.ge [sflag:s20], $0x2000  }
0x4a: {  	[sflag:s20] =	ssyncset.done $0x0  }
0x4b: {  	[sflag:s20] =	ssyncadd.s32 $0xFFFFE000  }
0x4c: {  	[spmem:s3] =	stream.indirect.scatter.add.f32 [tilespmem:s19], [sflag:$0x1], $0x80, s23, s21, $0xb8;
	[tilespmem:$0x16400] =	vst v63  }
0x4d: {  	_ =	swait.ge [sflag:s20], $0x2000  }
0x4e: {  	[sflag:s20] =	ssyncset.done $0x0  }
0x4f: {  	[sflag:s20] =	ssyncadd.s32 $0xFFFFE000  }
0x50: {  	[spmem:s3] =	stream.indirect.scatter.add.f32 [tilespmem:s19], [sflag:$0x1], $0x80, s24, s21, $0xb8;
	[tilespmem:$0x16400] =	vst v63  }
0x51: {  	_ =	swait.ge [sflag:s20], $0x2000  }
0x52: {  	[sflag:s20] =	ssyncset.done $0x0  }
0x53: {  	[sflag:s20] =	ssyncadd.s32 $0xFFFFE000  }
0x54: {  	[spmem:s3] =	stream.indirect.scatter.add.f32 [tilespmem:s19], [sflag:$0x1], $0x80, s25, s21, $0xb8;
	[tilespmem:$0x16400] =	vst v63  }
0x55: {  	_ =	swait.ge [sflag:s20], $0x2000  }
0x56: {  	[sflag:s20] =	ssyncset.done $0x0  }
0x57: {  	[sflag:s20] =	ssyncadd.s32 $0xFFFFE000  }
0x58: {  	[spmem:s3] =	stream.indirect.scatter.add.f32 [tilespmem:s19], [sflag:$0x1], $0x80, s26, s21, $0xb8;
	[tilespmem:$0x16400] =	vst v63  }
0x59: {  	_ =	swait.ge [sflag:s20], $0x2000  }
0x5a: {  	[sflag:s20] =	ssyncset.done $0x0  }
0x5b: {  	[sflag:s20] =	ssyncadd.s32 $0xFFFFE000  }
0x5c: {  	[spmem:s3] =	stream.indirect.scatter.add.f32 [tilespmem:s19], [sflag:$0x1], $0x80, s28, s21, $0xb8;
	[tilespmem:$0x16400] =	vst v63  }
0x5d: {  	_ =	swait.ge [sflag:s20], $0x2000  }
0x5e: {  	[sflag:s20] =	ssyncset.done $0x0  }
0x5f: {  	[sflag:s20] =	ssyncadd.s32 $0xFFFFE000  }
0x60: {  	[spmem:s3] =	stream.indirect.scatter.add.f32 [tilespmem:s19], [sflag:$0x1], $0x80, s29, s21, $0xb8;
	[tilespmem:$0x16400] =	vst v63  }
0x61: {  	_ =	swait.ge [sflag:s20], $0x2000  }
0x62: {  	[sflag:s20] =	ssyncset.done $0x0  }
0x63: {  	[sflag:s20] =	ssyncadd.s32 $0xFFFFE000  }
0x64: {  	[spmem:s3] =	stream.indirect.scatter.add.f32 [tilespmem:s19], [sflag:$0x1], $0x80, s30, s21, $0xb8;
	[tilespmem:$0x16400] =	vst v63  }
0x65: {  	_ =	swait.ge [sflag:s20], $0x2000  }
0x66: {  	s1 =	simm.s32 $0x100;
	s2 =	simm.s32 $0x200;
	[sflag:s20] =	ssyncset.done $0x0  }
.LBB2_2:
0x67: {  	s5 =	sadd.s32 s1, s18  }
0x68: {  	[sflag:s20] =	ssyncadd.s32 $0xFFFFE000;
	s1 =	smov.u32 s2;
	s0 =	sadd.s32 $0x100, s2  }
0x69: {  	[tilespmem:s4], [sflag:$0x1] =	stream.linear.gather [hbm4b:s5+s4], $0x800, $0x38;
	[tilespmem:$0x16400] =	vst v63  }
0x6a: {  	p0 =	sne.s32 s2, $0x1300;
	_ =	swait.ge [sflag:s20], $0x800  }
0x6b: {  	[sflag:s20] =	ssyncset.done $0x0  }
0x6c: {  	[sflag:s20] =	ssyncadd.s32 $0xFFFFF800  }
0x6d: {  	[spmem:s3] =	stream.indirect.scatter.add.f32 [tilespmem:s19], [sflag:$0x1], $0x80, s22, s21, $0xb8;
	[tilespmem:$0x16400] =	vst v63  }
0x6e: {  	_ =	swait.ge [sflag:s20], $0x2000  }
0x6f: {  	[sflag:s20] =	ssyncset.done $0x0  }
0x70: {  	[sflag:s20] =	ssyncadd.s32 $0xFFFFE000  }
0x71: {  	[spmem:s3] =	stream.indirect.scatter.add.f32 [tilespmem:s19], [sflag:$0x1], $0x80, s23, s21, $0xb8;
	[tilespmem:$0x16400] =	vst v63  }
0x72: {  	_ =	swait.ge [sflag:s20], $0x2000  }
0x73: {  	[sflag:s20] =	ssyncset.done $0x0  }
0x74: {  	[sflag:s20] =	ssyncadd.s32 $0xFFFFE000  }
0x75: {  	[spmem:s3] =	stream.indirect.scatter.add.f32 [tilespmem:s19], [sflag:$0x1], $0x80, s24, s21, $0xb8;
	[tilespmem:$0x16400] =	vst v63  }
0x76: {  	_ =	swait.ge [sflag:s20], $0x2000  }
0x77: {  	[sflag:s20] =	ssyncset.done $0x0  }
0x78: {  	[sflag:s20] =	ssyncadd.s32 $0xFFFFE000  }
0x79: {  	[spmem:s3] =	stream.indirect.scatter.add.f32 [tilespmem:s19], [sflag:$0x1], $0x80, s25, s21, $0xb8;
	[tilespmem:$0x16400] =	vst v63  }
0x7a: {  	_ =	swait.ge [sflag:s20], $0x2000  }
0x7b: {  	[sflag:s20] =	ssyncset.done $0x0  }
0x7c: {  	[sflag:s20] =	ssyncadd.s32 $0xFFFFE000  }
0x7d: {  	[spmem:s3] =	stream.indirect.scatter.add.f32 [tilespmem:s19], [sflag:$0x1], $0x80, s26, s21, $0xb8;
	[tilespmem:$0x16400] =	vst v63  }
0x7e: {  	_ =	swait.ge [sflag:s20], $0x2000  }
0x7f: {  	[sflag:s20] =	ssyncset.done $0x0  }
0x80: {  	[sflag:s20] =	ssyncadd.s32 $0xFFFFE000  }
0x81: {  	[spmem:s3] =	stream.indirect.scatter.add.f32 [tilespmem:s19], [sflag:$0x1], $0x80, s28, s21, $0xb8;
	[tilespmem:$0x16400] =	vst v63  }
0x82: {  	_ =	swait.ge [sflag:s20], $0x2000  }
0x83: {  	[sflag:s20] =	ssyncset.done $0x0  }
0x84: {  	[sflag:s20] =	ssyncadd.s32 $0xFFFFE000  }
0x85: {  	[spmem:s3] =	stream.indirect.scatter.add.f32 [tilespmem:s19], [sflag:$0x1], $0x80, s29, s21, $0xb8;
	[tilespmem:$0x16400] =	vst v63  }
0x86: {  	_ =	swait.ge [sflag:s20], $0x2000  }
.Ltmp0:
0x87: {  	[sflag:s20] =	ssyncset.done $0x0;
	(pc) =	sbr.rel @p0 .LBB2_2-.Ltmp0, $4  }
0x88: {  	[sflag:s20] =	ssyncadd.s32 $0xFFFFE000  }
0x89: {  	[spmem:s3] =	stream.indirect.scatter.add.f32 [tilespmem:s19], [sflag:$0x1], $0x80, s30, s21, $0xb8;
	[tilespmem:$0x16400] =	vst v63  }
0x8a: {  	_ =	swait.ge [sflag:s20], $0x2000  }
0x8b: {  	s2 =	smov.u32 s0;
	[sflag:s20] =	ssyncset.done $0x0  }
0x8c: {  	s0 =	sadd.s32 s1, s18;
	[sflag:s20] =	ssyncadd.s32 $0xFFFFE000  }
0x8d: {  	[tilespmem:s4], [sflag:$0x1] =	stream.linear.gather [hbm4b:s0+s4], $0x800, $0x38;
	[tilespmem:$0x16400] =	vst v63  }
0x8e: {  	_ =	swait.ge [sflag:s20], $0x800  }
0x8f: {  	[sflag:s20] =	ssyncset.done $0x0  }
0x90: {  	[sflag:s20] =	ssyncadd.s32 $0xFFFFF800  }
0x91: {  	[spmem:s3] =	stream.indirect.scatter.add.f32 [tilespmem:s19], [sflag:$0x1], $0x80, s22, s21, $0xb8;
	[tilespmem:$0x16400] =	vst v63  }
0x92: {  	_ =	swait.ge [sflag:s20], $0x2000  }
0x93: {  	[sflag:s20] =	ssyncset.done $0x0  }
0x94: {  	[sflag:s20] =	ssyncadd.s32 $0xFFFFE000  }
0x95: {  	[spmem:s3] =	stream.indirect.scatter.add.f32 [tilespmem:s19], [sflag:$0x1], $0x80, s23, s21, $0xb8;
	[tilespmem:$0x16400] =	vst v63  }
0x96: {  	_ =	swait.ge [sflag:s20], $0x2000  }
0x97: {  	[sflag:s20] =	ssyncset.done $0x0  }
0x98: {  	[sflag:s20] =	ssyncadd.s32 $0xFFFFE000  }
0x99: {  	[spmem:s3] =	stream.indirect.scatter.add.f32 [tilespmem:s19], [sflag:$0x1], $0x80, s24, s21, $0xb8;
	[tilespmem:$0x16400] =	vst v63  }
0x9a: {  	_ =	swait.ge [sflag:s20], $0x2000  }
0x9b: {  	[sflag:s20] =	ssyncset.done $0x0  }
0x9c: {  	[sflag:s20] =	ssyncadd.s32 $0xFFFFE000  }
0x9d: {  	[spmem:s3] =	stream.indirect.scatter.add.f32 [tilespmem:s19], [sflag:$0x1], $0x80, s25, s21, $0xb8;
	[tilespmem:$0x16400] =	vst v63  }
0x9e: {  	_ =	swait.ge [sflag:s20], $0x2000  }
0x9f: {  	[sflag:s20] =	ssyncset.done $0x0  }
0xa0: {  	[sflag:s20] =	ssyncadd.s32 $0xFFFFE000  }
0xa1: {  	[spmem:s3] =	stream.indirect.scatter.add.f32 [tilespmem:s19], [sflag:$0x1], $0x80, s26, s21, $0xb8;
	[tilespmem:$0x16400] =	vst v63  }
0xa2: {  	_ =	swait.ge [sflag:s20], $0x2000  }
0xa3: {  	[sflag:s20] =	ssyncset.done $0x0  }
0xa4: {  	[sflag:s20] =	ssyncadd.s32 $0xFFFFE000  }
0xa5: {  	[spmem:s3] =	stream.indirect.scatter.add.f32 [tilespmem:s19], [sflag:$0x1], $0x80, s28, s21, $0xb8;
	[tilespmem:$0x16400] =	vst v63  }
0xa6: {  	_ =	swait.ge [sflag:s20], $0x2000  }
0xa7: {  	[sflag:s20] =	ssyncset.done $0x0  }
0xa8: {  	[sflag:s20] =	ssyncadd.s32 $0xFFFFE000  }
0xa9: {  	[spmem:s3] =	stream.indirect.scatter.add.f32 [tilespmem:s19], [sflag:$0x1], $0x80, s29, s21, $0xb8;
	[tilespmem:$0x16400] =	vst v63  }
0xaa: {  	_ =	swait.ge [sflag:s20], $0x2000  }
0xab: {  	[sflag:s20] =	ssyncset.done $0x0  }
0xac: {  	[sflag:s20] =	ssyncadd.s32 $0xFFFFE000  }
0xad: {  	[spmem:s3] =	stream.indirect.scatter.add.f32 [tilespmem:s19], [sflag:$0x1], $0x80, s30, s21, $0xb8;
	[tilespmem:$0x16400] =	vst v63  }
0xae: {  	s2 =	stileid.u32;
	_ =	swait.ge [sflag:s20], $0x2000  }
0xaf: {  	s5 =	sshrl.u32 s6, $0x3;
	s31 =	sadd.s32 $0x1, s31;
	[sflag:s20] =	ssyncset.done $0x0  }
0xb0: {  	s0 =	sshll.u32 s2, $0x6;
	p0 =	sne.s32 s31, s17;
	[sflag:s20] =	ssyncadd.s32 $0xFFFFE000  }
.Ltmp1:
0xb1: {  	s0 =	sor.u32 $0x1C01, s0;
	[bflag:$0x0] =	sbarrier.arrive $0xFFFF;
	(pc) =	sbr.rel @p0 .LBB2_1-.Ltmp1, $4  }
0xb2: {  	[hbm:s16], [sflag:s0] =	dma.local [spmem:s5], $0x2780  }
0xb3: {  	_ =	swait.ge [sflag:s20], $0x2780  }
0xb4: {  	[sflag:s20] =	ssyncset.done $0x0  }
0xb5: {  	[sflag:s20] =	ssyncadd.s32 $0xFFFFD880  }
0xb6: {  	_ =	sfence.sel $0x180000  }
0xb7: {  	[bflag:$0x0] =	sbarrier.arrive $0xFFFF  }
0xb8: {  	_ =	strace $0x90000047  }
0xb9: {  	s0 =	stileid.u32;
	[bflag:$0x2] =	sbarrier.arrive $0xFFFF  }
0xba: {  	p0 =	sne.s32 s0, $0x0;
	s0 =	rddreg [dreg:$0x3]  }
0xbb: {  	s0 =	sadd.s32 @!p0 $0x100000, s0  }
0xbc: {  	[sflag:s0] =	ssyncadd.tile.s32 @!p0 $0x1;
	_ =	shalt  }
.Lfunc_end2:
_tile_overlayer_lowered:
.L_overlay_start_2:
0xbd: {  	(tag) =	ssettag $0x2  }
0xbe: {  	s0 =	rddreg [dreg:$0x0];
	s2 =	stileid.u32  }
0xbf: {  	s1 =	rddreg [dreg:$0x1];
	p0 =	sne.s32 s2, $0x0  }
0xc0: {  	s3 =	rddreg [dreg:$0x2];
	[bflag:$0x3] =	sbarrier.arrive $0xFFFF;
	s2 =	simm.s32 @!p0 $0x1C01  }
0xc1: {  	[timem:s3], [sflag:s2] =	dma.local @!p0 [hbm:s0], s1  }
0xc2: {  	s0 =	simm.s32 @!p0 $0x1  }
0xc3: {  	_ =	swait.ge @!p0 [sflag:s0], s1  }
0xc4: {  	s1 =	ssub.s32 @!p0 $0x0, s1;
	[sflag:s0] =	ssyncset.done @!p0 $0x0  }
0xc5: {  	[sflag:s0] =	ssyncadd.s32 @!p0 s1  }
0xc6: {  	[bflag:$0x3] =	sbarrier.arrive $0xFFFF  }
0xc7: {  	_ =	shalt  }

</sc_bundles>
